<compile_context>
chip_gen: v7x
topology: tpu7x:2x2x1
jax: 0.10.2.dev20260603
libtpu: 0.0.44.dev20260713+nightly
codegen_flags: <defaults>
</compile_context>

<pallas_src>
import functools

import jax
import jax.numpy as jnp
from jax import lax
from jax.experimental import pallas as pl
from jax.experimental.pallas import tpu as pltpu
from jax.experimental.pallas import tpu_sc as plsc

_B = 16384
_D = 64
_S = 16

_info = plsc.get_sparse_core_info()
_NC = _info.num_cores
_NW = _info.num_cores * _info.num_subcores
_BPW = _B // _NW

_mesh = plsc.VectorSubcoreMesh(core_axis_name="c", subcore_axis_name="s")


@functools.partial(
    pl.kernel,
    mesh=_mesh,
    compiler_params=pltpu.CompilerParams(needs_layout_passes=False),
    out_type=jax.ShapeDtypeStruct((_B, _D), jnp.float32),
    scratch_types=[
        pltpu.VMEM((_BPW,), jnp.int32),
        pltpu.VMEM((_BPW, _D), jnp.float32),
        pltpu.VMEM((_S,), jnp.float32),
        pltpu.SemaphoreType.DMA,
    ],
)
def _emb_kernel(idx_hbm, table_hbm, shared_hbm, out_hbm,
                idx_v, rows_v, sh_v, sem):
    wid = lax.axis_index("s") * _NC + lax.axis_index("c")
    base = wid * _BPW
    pltpu.sync_copy(idx_hbm.at[pl.ds(base, _BPW)], idx_v)
    pltpu.sync_copy(shared_hbm.at[0], sh_v)

    lanes = lax.iota(jnp.int32, 16)

    def fire(blk, carry):
        vec = idx_v[pl.ds(blk * 16, 16)]
        for l in range(16):
            r = jnp.sum(jnp.where(lanes == l, vec, 0))
            pltpu.async_copy(table_hbm.at[r], rows_v.at[blk * 16 + l], sem)
        return carry

    lax.fori_loop(0, _BPW // 16, fire, 0, unroll=1)

    def drain(i, carry):
        pltpu.make_async_copy(table_hbm.at[0], rows_v.at[i], sem).wait()
        return carry

    lax.fori_loop(0, _BPW, drain, 0, unroll=8)

    sval = sh_v[...]

    def body(i, carry):
        rows_v[i, pl.ds(0, _S)] = sval
        return carry

    lax.fori_loop(0, _BPW, body, 0, unroll=8)
    pltpu.sync_copy(rows_v, out_hbm.at[pl.ds(base, _BPW)])


def kernel(X, W, shared_embed):
    return _emb_kernel(X.astype(jnp.int32), W, shared_embed)

# --- scband reference (transcript-rebuilt; emitter-appended) ---
"""Pipeline reference for scband-shared-embeddings-1726576854757 (READ-ONLY COPY).

The authoritative reference and input builder live on the scoring server;
editing this copy changes nothing except your own understanding.
"""

import jax, jax.numpy as jnp
import numpy as np

NUM_EMBED = 1000000
EMBED_DIM = 64
SHARED_DIM = int(EMBED_DIM * 0.25)  # frac_shared_embed = 0.25, add_shared_embed = False
BATCH = 16384


def setup_inputs(seed: int = 0) -> dict:
    key = jax.random.key(seed)
    k1, k2, k3 = jax.random.split(key, 3)
    X = jax.random.randint(k1, (BATCH,), 0, NUM_EMBED)
    # nn.Embedding weight, clamped to [-2, 2], padding_idx=0 row zeroed
    W = jnp.clip(jax.random.normal(k2, (NUM_EMBED, EMBED_DIM), dtype=jnp.float32), -2.0, 2.0)
    W = W.at[0].set(0.0)
    shared_embed = jax.random.uniform(k3, (1, SHARED_DIM), dtype=jnp.float32, minval=-1.0, maxval=1.0)
    return {"X": X, "W": W, "shared_embed": shared_embed}


def reference(X, W, shared_embed):
    # out = self.embed(X)
    out = jnp.take(W, X, axis=0)
    # shared_embed = self.shared_embed.expand(out.shape[0], -1)
    shared = jnp.broadcast_to(shared_embed, (out.shape[0], shared_embed.shape[1]))
    # add_shared_embed is False -> overwrite leading columns
    out = out.at[:, : shared_embed.shape[1]].set(shared)
    return out

if __name__ == "__main__":
    import jax
    _d = setup_inputs()
    print(jax.jit(kernel)(*tuple(_d.values())))

</pallas_src>

<mosaic_0001>
#map = affine_map<(d0, d1) -> (0)>
#map1 = affine_map<(d0, d1) -> (0, 0)>
module attributes {stable_mosaic.version = 14 : i64} {
  func.func @_emb_kernel(%arg0: i32, %arg1: i32, %arg2: memref<16384xi32, #tpu.memory_space<hbm>>, %arg3: memref<1000000x64xf32, #tpu.memory_space<hbm>>, %arg4: memref<1x16xf32, #tpu.memory_space<hbm>>, %arg5: memref<16384x64xf32, #tpu.memory_space<hbm>>, %arg6: memref<512xi32, #tpu.memory_space<vmem>>, %arg7: memref<512x64xf32, #tpu.memory_space<vmem>>, %arg8: memref<16xf32, #tpu.memory_space<vmem>>, %arg9: memref<!tpu.dma_semaphore, #tpu.memory_space<semaphore_mem>>) attributes {dimension_semantics = [#tpu.dimension_semantics<core_parallel>, #tpu.dimension_semantics<subcore_parallel>], iteration_bounds = array<i64: 2, 16>, scalar_prefetch = 0 : i64, scratch_operands = 4 : i64, tpu.core_type = #tpu.core_type<sc_vector_subcore>, window_params = [{transform_indices = #map}, {transform_indices = #map1}, {transform_indices = #map1}, {transform_indices = #map1}]} {
    %mul3A = arith.constant 2 : i32
    %mul3A_0 = arith.muli %arg1, %mul3A : i32
    %add3A = arith.addi %mul3A_0, %arg0 : i32
    %mul3A_1 = arith.constant 512 : i32
    %mul3A_2 = arith.muli %add3A, %mul3A_1 : i32
    "tpu.region"() ({
      %run_scoped3A_21 = tpu.sem_alloc : memref<!tpu.dma_semaphore, #tpu.memory_space<semaphore_mem>>
      %dma_start3A = tpu.memref_slice %arg2[%mul3A_2] : memref<16384xi32, #tpu.memory_space<hbm>> -> memref<512xi32, #tpu.memory_space<hbm>>
      %dma_start3A_22 = tpu.memref_slice %arg2[%mul3A_2] : memref<16384xi32, #tpu.memory_space<hbm>> -> memref<512xi32, #tpu.memory_space<hbm>>
      tpu.enqueue_dma source(%dma_start3A_22 : memref<512xi32, #tpu.memory_space<hbm>>) target(%arg6 : memref<512xi32, #tpu.memory_space<vmem>>) target_semaphore(%run_scoped3A_21 : memref<!tpu.dma_semaphore, #tpu.memory_space<semaphore_mem>>)
      %dma_wait3A = tpu.memref_slice %arg2[%mul3A_2] : memref<16384xi32, #tpu.memory_space<hbm>> -> memref<512xi32, #tpu.memory_space<hbm>>
      %dma_wait3A_23 = tpu.memref_slice %arg2[%mul3A_2] : memref<16384xi32, #tpu.memory_space<hbm>> -> memref<512xi32, #tpu.memory_space<hbm>>
      tpu.wait_dma2 semaphore(%run_scoped3A_21 : memref<!tpu.dma_semaphore, #tpu.memory_space<semaphore_mem>>) src(%dma_wait3A_23 : memref<512xi32, #tpu.memory_space<hbm>>) dst(%arg6 : memref<512xi32, #tpu.memory_space<vmem>>)
      tpu.yield
    }) : () -> ()
    %run_scoped3A = arith.constant 0 : i32
    "tpu.region"() ({
      %run_scoped3A_21 = tpu.sem_alloc : memref<!tpu.dma_semaphore, #tpu.memory_space<semaphore_mem>>
      %dma_start3A = arith.constant 0 : i32
      %dma_start3A_22 = tpu.memref_slice %arg4[%run_scoped3A, %dma_start3A] : memref<1x16xf32, #tpu.memory_space<hbm>> -> memref<1x16xf32, #tpu.memory_space<hbm>>
      %dma_start3A_23 = tpu.memref_squeeze %dma_start3A_22 : memref<1x16xf32, #tpu.memory_space<hbm>> -> memref<16xf32, #tpu.memory_space<hbm>>
      %dma_start3A_24 = arith.constant 0 : i32
      %dma_start3A_25 = tpu.memref_slice %arg4[%run_scoped3A, %dma_start3A_24] : memref<1x16xf32, #tpu.memory_space<hbm>> -> memref<1x16xf32, #tpu.memory_space<hbm>>
      %dma_start3A_26 = tpu.memref_squeeze %dma_start3A_25 : memref<1x16xf32, #tpu.memory_space<hbm>> -> memref<16xf32, #tpu.memory_space<hbm>>
      tpu.enqueue_dma source(%dma_start3A_26 : memref<16xf32, #tpu.memory_space<hbm>>) target(%arg8 : memref<16xf32, #tpu.memory_space<vmem>>) target_semaphore(%run_scoped3A_21 : memref<!tpu.dma_semaphore, #tpu.memory_space<semaphore_mem>>)
      %dma_wait3A = arith.constant 0 : i32
      %dma_wait3A_27 = tpu.memref_slice %arg4[%run_scoped3A, %dma_wait3A] : memref<1x16xf32, #tpu.memory_space<hbm>> -> memref<1x16xf32, #tpu.memory_space<hbm>>
      %dma_wait3A_28 = tpu.memref_squeeze %dma_wait3A_27 : memref<1x16xf32, #tpu.memory_space<hbm>> -> memref<16xf32, #tpu.memory_space<hbm>>
      %dma_wait3A_29 = arith.constant 0 : i32
      %dma_wait3A_30 = tpu.memref_slice %arg4[%run_scoped3A, %dma_wait3A_29] : memref<1x16xf32, #tpu.memory_space<hbm>> -> memref<1x16xf32, #tpu.memory_space<hbm>>
      %dma_wait3A_31 = tpu.memref_squeeze %dma_wait3A_30 : memref<1x16xf32, #tpu.memory_space<hbm>> -> memref<16xf32, #tpu.memory_space<hbm>>
      tpu.wait_dma2 semaphore(%run_scoped3A_21 : memref<!tpu.dma_semaphore, #tpu.memory_space<semaphore_mem>>) src(%dma_wait3A_31 : memref<16xf32, #tpu.memory_space<hbm>>) dst(%arg8 : memref<16xf32, #tpu.memory_space<vmem>>)
      tpu.yield
    }) : () -> ()
    %iota3A = tpu.iota {dimensions = array<i32: 0>} : vector<16xi32>
    %scan3A = arith.constant 0 : i32
    %scan3A_3 = arith.constant 0 : i32
    %scan3A_4 = arith.constant 32 : i32
    %scan3A_5 = arith.addi %scan3A_3, %scan3A_4 : i32
    %scan3A_6 = arith.constant 1 : i32
    scf.for %scan3A_21 = %scan3A_3 to %scan3A_5 step %scan3A_6  : i32 {
      %mul3A_22 = arith.constant 16 : i32
      %mul3A_23 = arith.muli %scan3A_21, %mul3A_22 : i32
      %get3A_24 = arith.index_cast %mul3A_23 : i32 to index
      %get3A_25 = tpu.vector_load %arg6[%get3A_24] {strides = array<i32>} : memref<512xi32, #tpu.memory_space<vmem>>, vector<16xi32>,
      %eq3A = arith.constant 0 : i32
      %eq3A_26 = vector.broadcast %eq3A : i32 to vector<16xi32>
      %eq3A_27 = arith.cmpi eq, %iota3A, %eq3A_26 : vector<16xi32>
      %jit3A = arith.constant 0 : i32
      %broadcast_in_dim3A = vector.broadcast %jit3A : i32 to vector<16xi32>
      %select_n3A = arith.select %eq3A_27, %get3A_25, %broadcast_in_dim3A : vector<16xi1>, vector<16xi32>
      %reduce_sum3A = arith.constant true
      %reduce_sum3A_28 = vector.broadcast %reduce_sum3A : i1 to vector<16xi1>
      %reduce_sum3A_29 = tpu.scan <sum>, %select_n3A masked %reduce_sum3A_28 : vector<16xi32>, vector<16xi1> -> vector<16xi32>
      %reduce_sum3A_30 = vector.extract %reduce_sum3A_29[15] : i32 from vector<16xi32>
      %mul3A_31 = arith.constant 16 : i32
      %mul3A_32 = arith.muli %scan3A_21, %mul3A_31 : i32
      %add3A_33 = arith.constant 0 : i32
      %add3A_34 = arith.addi %mul3A_32, %add3A_33 : i32
      %dma_start3A = arith.constant 0 : i32
      %dma_start3A_35 = tpu.memref_slice %arg7[%add3A_34, %dma_start3A] : memref<512x64xf32, #tpu.memory_space<vmem>> -> memref<1x64xf32, #tpu.memory_space<vmem>>
      %dma_start3A_36 = tpu.memref_squeeze %dma_start3A_35 : memref<1x64xf32, #tpu.memory_space<vmem>> -> memref<64xf32, #tpu.memory_space<vmem>>
      %dma_start3A_37 = arith.constant 0 : i32
      %dma_start3A_38 = tpu.memref_slice %arg3[%reduce_sum3A_30, %dma_start3A_37] : memref<1000000x64xf32, #tpu.memory_space<hbm>> -> memref<1x64xf32, #tpu.memory_space<hbm>>
      %dma_start3A_39 = tpu.memref_squeeze %dma_start3A_38 : memref<1x64xf32, #tpu.memory_space<hbm>> -> memref<64xf32, #tpu.memory_space<hbm>>
      %dma_start3A_40 = arith.constant 0 : i32
      %dma_start3A_41 = tpu.memref_slice %arg7[%add3A_34, %dma_start3A_40] : memref<512x64xf32, #tpu.memory_space<vmem>> -> memref<1x64xf32, #tpu.memory_space<vmem>>
      %dma_start3A_42 = tpu.memref_squeeze %dma_start3A_41 : memref<1x64xf32, #tpu.memory_space<vmem>> -> memref<64xf32, #tpu.memory_space<vmem>>
      %dma_start3A_43 = arith.constant 0 : i32
      %dma_start3A_44 = tpu.memref_slice %arg3[%reduce_sum3A_30, %dma_start3A_43] : memref<1000000x64xf32, #tpu.memory_space<hbm>> -> memref<1x64xf32, #tpu.memory_space<hbm>>
      %dma_start3A_45 = tpu.memref_squeeze %dma_start3A_44 : memref<1x64xf32, #tpu.memory_space<hbm>> -> memref<64xf32, #tpu.memory_space<hbm>>
      tpu.enqueue_dma source(%dma_start3A_45 : memref<64xf32, #tpu.memory_space<hbm>>) target(%dma_start3A_42 : memref<64xf32, #tpu.memory_space<vmem>>) target_semaphore(%arg9 : memref<!tpu.dma_semaphore, #tpu.memory_space<semaphore_mem>>)
      %eq3A_46 = arith.constant 1 : i32
      %eq3A_47 = vector.broadcast %eq3A_46 : i32 to vector<16xi32>
      %eq3A_48 = arith.cmpi eq, %iota3A, %eq3A_47 : vector<16xi32>
      %jit3A_49 = arith.constant 0 : i32
      %broadcast_in_dim3A_50 = vector.broadcast %jit3A_49 : i32 to vector<16xi32>
      %select_n3A_51 = arith.select %eq3A_48, %get3A_25, %broadcast_in_dim3A_50 : vector<16xi1>, vector<16xi32>
      %reduce_sum3A_52 = arith.constant true
      %reduce_sum3A_53 = vector.broadcast %reduce_sum3A_52 : i1 to vector<16xi1>
      %reduce_sum3A_54 = tpu.scan <sum>, %select_n3A_51 masked %reduce_sum3A_53 : vector<16xi32>, vector<16xi1> -> vector<16xi32>
      %reduce_sum3A_55 = vector.extract %reduce_sum3A_54[15] : i32 from vector<16xi32>
      %mul3A_56 = arith.constant 16 : i32
      %mul3A_57 = arith.muli %scan3A_21, %mul3A_56 : i32
      %add3A_58 = arith.constant 1 : i32
      %add3A_59 = arith.addi %mul3A_57, %add3A_58 : i32
      %dma_start3A_60 = arith.constant 0 : i32
      %dma_start3A_61 = tpu.memref_slice %arg7[%add3A_59, %dma_start3A_60] : memref<512x64xf32, #tpu.memory_space<vmem>> -> memref<1x64xf32, #tpu.memory_space<vmem>>
      %dma_start3A_62 = tpu.memref_squeeze %dma_start3A_61 : memref<1x64xf32, #tpu.memory_space<vmem>> -> memref<64xf32, #tpu.memory_space<vmem>>
      %dma_start3A_63 = arith.constant 0 : i32
      %dma_start3A_64 = tpu.memref_slice %arg3[%reduce_sum3A_55, %dma_start3A_63] : memref<1000000x64xf32, #tpu.memory_space<hbm>> -> memref<1x64xf32, #tpu.memory_space<hbm>>
      %dma_start3A_65 = tpu.memref_squeeze %dma_start3A_64 : memref<1x64xf32, #tpu.memory_space<hbm>> -> memref<64xf32, #tpu.memory_space<hbm>>
      %dma_start3A_66 = arith.constant 0 : i32
      %dma_start3A_67 = tpu.memref_slice %arg7[%add3A_59, %dma_start3A_66] : memref<512x64xf32, #tpu.memory_space<vmem>> -> memref<1x64xf32, #tpu.memory_space<vmem>>
      %dma_start3A_68 = tpu.memref_squeeze %dma_start3A_67 : memref<1x64xf32, #tpu.memory_space<vmem>> -> memref<64xf32, #tpu.memory_space<vmem>>
      %dma_start3A_69 = arith.constant 0 : i32
      %dma_start3A_70 = tpu.memref_slice %arg3[%reduce_sum3A_55, %dma_start3A_69] : memref<1000000x64xf32, #tpu.memory_space<hbm>> -> memref<1x64xf32, #tpu.memory_space<hbm>>
      %dma_start3A_71 = tpu.memref_squeeze %dma_start3A_70 : memref<1x64xf32, #tpu.memory_space<hbm>> -> memref<64xf32, #tpu.memory_space<hbm>>
      tpu.enqueue_dma source(%dma_start3A_71 : memref<64xf32, #tpu.memory_space<hbm>>) target(%dma_start3A_68 : memref<64xf32, #tpu.memory_space<vmem>>) target_semaphore(%arg9 : memref<!tpu.dma_semaphore, #tpu.memory_space<semaphore_mem>>)
      %eq3A_72 = arith.constant 2 : i32
      %eq3A_73 = vector.broadcast %eq3A_72 : i32 to vector<16xi32>
      %eq3A_74 = arith.cmpi eq, %iota3A, %eq3A_73 : vector<16xi32>
      %jit3A_75 = arith.constant 0 : i32
      %broadcast_in_dim3A_76 = vector.broadcast %jit3A_75 : i32 to vector<16xi32>
      %select_n3A_77 = arith.select %eq3A_74, %get3A_25, %broadcast_in_dim3A_76 : vector<16xi1>, vector<16xi32>
      %reduce_sum3A_78 = arith.constant true
      %reduce_sum3A_79 = vector.broadcast %reduce_sum3A_78 : i1 to vector<16xi1>
      %reduce_sum3A_80 = tpu.scan <sum>, %select_n3A_77 masked %reduce_sum3A_79 : vector<16xi32>, vector<16xi1> -> vector<16xi32>
      %reduce_sum3A_81 = vector.extract %reduce_sum3A_80[15] : i32 from vector<16xi32>
      %mul3A_82 = arith.constant 16 : i32
      %mul3A_83 = arith.muli %scan3A_21, %mul3A_82 : i32
      %add3A_84 = arith.constant 2 : i32
      %add3A_85 = arith.addi %mul3A_83, %add3A_84 : i32
      %dma_start3A_86 = arith.constant 0 : i32
      %dma_start3A_87 = tpu.memref_slice %arg7[%add3A_85, %dma_start3A_86] : memref<512x64xf32, #tpu.memory_space<vmem>> -> memref<1x64xf32, #tpu.memory_space<vmem>>
      %dma_start3A_88 = tpu.memref_squeeze %dma_start3A_87 : memref<1x64xf32, #tpu.memory_space<vmem>> -> memref<64xf32, #tpu.memory_space<vmem>>
      %dma_start3A_89 = arith.constant 0 : i32
      %dma_start3A_90 = tpu.memref_slice %arg3[%reduce_sum3A_81, %dma_start3A_89] : memref<1000000x64xf32, #tpu.memory_space<hbm>> -> memref<1x64xf32, #tpu.memory_space<hbm>>
      %dma_start3A_91 = tpu.memref_squeeze %dma_start3A_90 : memref<1x64xf32, #tpu.memory_space<hbm>> -> memref<64xf32, #tpu.memory_space<hbm>>
      %dma_start3A_92 = arith.constant 0 : i32
      %dma_start3A_93 = tpu.memref_slice %arg7[%add3A_85, %dma_start3A_92] : memref<512x64xf32, #tpu.memory_space<vmem>> -> memref<1x64xf32, #tpu.memory_space<vmem>>
      %dma_start3A_94 = tpu.memref_squeeze %dma_start3A_93 : memref<1x64xf32, #tpu.memory_space<vmem>> -> memref<64xf32, #tpu.memory_space<vmem>>
      %dma_start3A_95 = arith.constant 0 : i32
      %dma_start3A_96 = tpu.memref_slice %arg3[%reduce_sum3A_81, %dma_start3A_95] : memref<1000000x64xf32, #tpu.memory_space<hbm>> -> memref<1x64xf32, #tpu.memory_space<hbm>>
      %dma_start3A_97 = tpu.memref_squeeze %dma_start3A_96 : memref<1x64xf32, #tpu.memory_space<hbm>> -> memref<64xf32, #tpu.memory_space<hbm>>
      tpu.enqueue_dma source(%dma_start3A_97 : memref<64xf32, #tpu.memory_space<hbm>>) target(%dma_start3A_94 : memref<64xf32, #tpu.memory_space<vmem>>) target_semaphore(%arg9 : memref<!tpu.dma_semaphore, #tpu.memory_space<semaphore_mem>>)
      %eq3A_98 = arith.constant 3 : i32
      %eq3A_99 = vector.broadcast %eq3A_98 : i32 to vector<16xi32>
      %eq3A_100 = arith.cmpi eq, %iota3A, %eq3A_99 : vector<16xi32>
      %jit3A_101 = arith.constant 0 : i32
      %broadcast_in_dim3A_102 = vector.broadcast %jit3A_101 : i32 to vector<16xi32>
      %select_n3A_103 = arith.select %eq3A_100, %get3A_25, %broadcast_in_dim3A_102 : vector<16xi1>, vector<16xi32>
      %reduce_sum3A_104 = arith.constant true
      %reduce_sum3A_105 = vector.broadcast %reduce_sum3A_104 : i1 to vector<16xi1>
      %reduce_sum3A_106 = tpu.scan <sum>, %select_n3A_103 masked %reduce_sum3A_105 : vector<16xi32>, vector<16xi1> -> vector<16xi32>
      %reduce_sum3A_107 = vector.extract %reduce_sum3A_106[15] : i32 from vector<16xi32>
      %mul3A_108 = arith.constant 16 : i32
      %mul3A_109 = arith.muli %scan3A_21, %mul3A_108 : i32
      %add3A_110 = arith.constant 3 : i32
      %add3A_111 = arith.addi %mul3A_109, %add3A_110 : i32
      %dma_start3A_112 = arith.constant 0 : i32
      %dma_start3A_113 = tpu.memref_slice %arg7[%add3A_111, %dma_start3A_112] : memref<512x64xf32, #tpu.memory_space<vmem>> -> memref<1x64xf32, #tpu.memory_space<vmem>>
      %dma_start3A_114 = tpu.memref_squeeze %dma_start3A_113 : memref<1x64xf32, #tpu.memory_space<vmem>> -> memref<64xf32, #tpu.memory_space<vmem>>
      %dma_start3A_115 = arith.constant 0 : i32
      %dma_start3A_116 = tpu.memref_slice %arg3[%reduce_sum3A_107, %dma_start3A_115] : memref<1000000x64xf32, #tpu.memory_space<hbm>> -> memref<1x64xf32, #tpu.memory_space<hbm>>
      %dma_start3A_117 = tpu.memref_squeeze %dma_start3A_116 : memref<1x64xf32, #tpu.memory_space<hbm>> -> memref<64xf32, #tpu.memory_space<hbm>>
      %dma_start3A_118 = arith.constant 0 : i32
      %dma_start3A_119 = tpu.memref_slice %arg7[%add3A_111, %dma_start3A_118] : memref<512x64xf32, #tpu.memory_space<vmem>> -> memref<1x64xf32, #tpu.memory_space<vmem>>
      %dma_start3A_120 = tpu.memref_squeeze %dma_start3A_119 : memref<1x64xf32, #tpu.memory_space<vmem>> -> memref<64xf32, #tpu.memory_space<vmem>>
      %dma_start3A_121 = arith.constant 0 : i32
      %dma_start3A_122 = tpu.memref_slice %arg3[%reduce_sum3A_107, %dma_start3A_121] : memref<1000000x64xf32, #tpu.memory_space<hbm>> -> memref<1x64xf32, #tpu.memory_space<hbm>>
      %dma_start3A_123 = tpu.memref_squeeze %dma_start3A_122 : memref<1x64xf32, #tpu.memory_space<hbm>> -> memref<64xf32, #tpu.memory_space<hbm>>
      tpu.enqueue_dma source(%dma_start3A_123 : memref<64xf32, #tpu.memory_space<hbm>>) target(%dma_start3A_120 : memref<64xf32, #tpu.memory_space<vmem>>) target_semaphore(%arg9 : memref<!tpu.dma_semaphore, #tpu.memory_space<semaphore_mem>>)
      %eq3A_124 = arith.constant 4 : i32
      %eq3A_125 = vector.broadcast %eq3A_124 : i32 to vector<16xi32>
      %eq3A_126 = arith.cmpi eq, %iota3A, %eq3A_125 : vector<16xi32>
      %jit3A_127 = arith.constant 0 : i32
      %broadcast_in_dim3A_128 = vector.broadcast %jit3A_127 : i32 to vector<16xi32>
      %select_n3A_129 = arith.select %eq3A_126, %get3A_25, %broadcast_in_dim3A_128 : vector<16xi1>, vector<16xi32>
      %reduce_sum3A_130 = arith.constant true
      %reduce_sum3A_131 = vector.broadcast %reduce_sum3A_130 : i1 to vector<16xi1>
      %reduce_sum3A_132 = tpu.scan <sum>, %select_n3A_129 masked %reduce_sum3A_131 : vector<16xi32>, vector<16xi1> -> vector<16xi32>
      %reduce_sum3A_133 = vector.extract %reduce_sum3A_132[15] : i32 from vector<16xi32>
      %mul3A_134 = arith.constant 16 : i32
      %mul3A_135 = arith.muli %scan3A_21, %mul3A_134 : i32
      %add3A_136 = arith.constant 4 : i32
      %add3A_137 = arith.addi %mul3A_135, %add3A_136 : i32
      %dma_start3A_138 = arith.constant 0 : i32
      %dma_start3A_139 = tpu.memref_slice %arg7[%add3A_137, %dma_start3A_138] : memref<512x64xf32, #tpu.memory_space<vmem>> -> memref<1x64xf32, #tpu.memory_space<vmem>>
      %dma_start3A_140 = tpu.memref_squeeze %dma_start3A_139 : memref<1x64xf32, #tpu.memory_space<vmem>> -> memref<64xf32, #tpu.memory_space<vmem>>
      %dma_start3A_141 = arith.constant 0 : i32
      %dma_start3A_142 = tpu.memref_slice %arg3[%reduce_sum3A_133, %dma_start3A_141] : memref<1000000x64xf32, #tpu.memory_space<hbm>> -> memref<1x64xf32, #tpu.memory_space<hbm>>
      %dma_start3A_143 = tpu.memref_squeeze %dma_start3A_142 : memref<1x64xf32, #tpu.memory_space<hbm>> -> memref<64xf32, #tpu.memory_space<hbm>>
      %dma_start3A_144 = arith.constant 0 : i32
      %dma_start3A_145 = tpu.memref_slice %arg7[%add3A_137, %dma_start3A_144] : memref<512x64xf32, #tpu.memory_space<vmem>> -> memref<1x64xf32, #tpu.memory_space<vmem>>
      %dma_start3A_146 = tpu.memref_squeeze %dma_start3A_145 : memref<1x64xf32, #tpu.memory_space<vmem>> -> memref<64xf32, #tpu.memory_space<vmem>>
      %dma_start3A_147 = arith.constant 0 : i32
      %dma_start3A_148 = tpu.memref_slice %arg3[%reduce_sum3A_133, %dma_start3A_147] : memref<1000000x64xf32, #tpu.memory_space<hbm>> -> memref<1x64xf32, #tpu.memory_space<hbm>>
      %dma_start3A_149 = tpu.memref_squeeze %dma_start3A_148 : memref<1x64xf32, #tpu.memory_space<hbm>> -> memref<64xf32, #tpu.memory_space<hbm>>
      tpu.enqueue_dma source(%dma_start3A_149 : memref<64xf32, #tpu.memory_space<hbm>>) target(%dma_start3A_146 : memref<64xf32, #tpu.memory_space<vmem>>) target_semaphore(%arg9 : memref<!tpu.dma_semaphore, #tpu.memory_space<semaphore_mem>>)
      %eq3A_150 = arith.constant 5 : i32
      %eq3A_151 = vector.broadcast %eq3A_150 : i32 to vector<16xi32>
      %eq3A_152 = arith.cmpi eq, %iota3A, %eq3A_151 : vector<16xi32>
      %jit3A_153 = arith.constant 0 : i32
      %broadcast_in_dim3A_154 = vector.broadcast %jit3A_153 : i32 to vector<16xi32>
      %select_n3A_155 = arith.select %eq3A_152, %get3A_25, %broadcast_in_dim3A_154 : vector<16xi1>, vector<16xi32>
      %reduce_sum3A_156 = arith.constant true
      %reduce_sum3A_157 = vector.broadcast %reduce_sum3A_156 : i1 to vector<16xi1>
      %reduce_sum3A_158 = tpu.scan <sum>, %select_n3A_155 masked %reduce_sum3A_157 : vector<16xi32>, vector<16xi1> -> vector<16xi32>
      %reduce_sum3A_159 = vector.extract %reduce_sum3A_158[15] : i32 from vector<16xi32>
      %mul3A_160 = arith.constant 16 : i32
      %mul3A_161 = arith.muli %scan3A_21, %mul3A_160 : i32
      %add3A_162 = arith.constant 5 : i32
      %add3A_163 = arith.addi %mul3A_161, %add3A_162 : i32
      %dma_start3A_164 = arith.constant 0 : i32
      %dma_start3A_165 = tpu.memref_slice %arg7[%add3A_163, %dma_start3A_164] : memref<512x64xf32, #tpu.memory_space<vmem>> -> memref<1x64xf32, #tpu.memory_space<vmem>>
      %dma_start3A_166 = tpu.memref_squeeze %dma_start3A_165 : memref<1x64xf32, #tpu.memory_space<vmem>> -> memref<64xf32, #tpu.memory_space<vmem>>
      %dma_start3A_167 = arith.constant 0 : i32
      %dma_start3A_168 = tpu.memref_slice %arg3[%reduce_sum3A_159, %dma_start3A_167] : memref<1000000x64xf32, #tpu.memory_space<hbm>> -> memref<1x64xf32, #tpu.memory_space<hbm>>
      %dma_start3A_169 = tpu.memref_squeeze %dma_start3A_168 : memref<1x64xf32, #tpu.memory_space<hbm>> -> memref<64xf32, #tpu.memory_space<hbm>>
      %dma_start3A_170 = arith.constant 0 : i32
      %dma_start3A_171 = tpu.memref_slice %arg7[%add3A_163, %dma_start3A_170] : memref<512x64xf32, #tpu.memory_space<vmem>> -> memref<1x64xf32, #tpu.memory_space<vmem>>
      %dma_start3A_172 = tpu.memref_squeeze %dma_start3A_171 : memref<1x64xf32, #tpu.memory_space<vmem>> -> memref<64xf32, #tpu.memory_space<vmem>>
      %dma_start3A_173 = arith.constant 0 : i32
      %dma_start3A_174 = tpu.memref_slice %arg3[%reduce_sum3A_159, %dma_start3A_173] : memref<1000000x64xf32, #tpu.memory_space<hbm>> -> memref<1x64xf32, #tpu.memory_space<hbm>>
      %dma_start3A_175 = tpu.memref_squeeze %dma_start3A_174 : memref<1x64xf32, #tpu.memory_space<hbm>> -> memref<64xf32, #tpu.memory_space<hbm>>
      tpu.enqueue_dma source(%dma_start3A_175 : memref<64xf32, #tpu.memory_space<hbm>>) target(%dma_start3A_172 : memref<64xf32, #tpu.memory_space<vmem>>) target_semaphore(%arg9 : memref<!tpu.dma_semaphore, #tpu.memory_space<semaphore_mem>>)
      %eq3A_176 = arith.constant 6 : i32
      %eq3A_177 = vector.broadcast %eq3A_176 : i32 to vector<16xi32>
      %eq3A_178 = arith.cmpi eq, %iota3A, %eq3A_177 : vector<16xi32>
      %jit3A_179 = arith.constant 0 : i32
      %broadcast_in_dim3A_180 = vector.broadcast %jit3A_179 : i32 to vector<16xi32>
      %select_n3A_181 = arith.select %eq3A_178, %get3A_25, %broadcast_in_dim3A_180 : vector<16xi1>, vector<16xi32>
      %reduce_sum3A_182 = arith.constant true
      %reduce_sum3A_183 = vector.broadcast %reduce_sum3A_182 : i1 to vector<16xi1>
      %reduce_sum3A_184 = tpu.scan <sum>, %select_n3A_181 masked %reduce_sum3A_183 : vector<16xi32>, vector<16xi1> -> vector<16xi32>
      %reduce_sum3A_185 = vector.extract %reduce_sum3A_184[15] : i32 from vector<16xi32>
      %mul3A_186 = arith.constant 16 : i32
      %mul3A_187 = arith.muli %scan3A_21, %mul3A_186 : i32
      %add3A_188 = arith.constant 6 : i32
      %add3A_189 = arith.addi %mul3A_187, %add3A_188 : i32
      %dma_start3A_190 = arith.constant 0 : i32
      %dma_start3A_191 = tpu.memref_slice %arg7[%add3A_189, %dma_start3A_190] : memref<512x64xf32, #tpu.memory_space<vmem>> -> memref<1x64xf32, #tpu.memory_space<vmem>>
      %dma_start3A_192 = tpu.memref_squeeze %dma_start3A_191 : memref<1x64xf32, #tpu.memory_space<vmem>> -> memref<64xf32, #tpu.memory_space<vmem>>
      %dma_start3A_193 = arith.constant 0 : i32
      %dma_start3A_194 = tpu.memref_slice %arg3[%reduce_sum3A_185, %dma_start3A_193] : memref<1000000x64xf32, #tpu.memory_space<hbm>> -> memref<1x64xf32, #tpu.memory_space<hbm>>
      %dma_start3A_195 = tpu.memref_squeeze %dma_start3A_194 : memref<1x64xf32, #tpu.memory_space<hbm>> -> memref<64xf32, #tpu.memory_space<hbm>>
      %dma_start3A_196 = arith.constant 0 : i32
      %dma_start3A_197 = tpu.memref_slice %arg7[%add3A_189, %dma_start3A_196] : memref<512x64xf32, #tpu.memory_space<vmem>> -> memref<1x64xf32, #tpu.memory_space<vmem>>
      %dma_start3A_198 = tpu.memref_squeeze %dma_start3A_197 : memref<1x64xf32, #tpu.memory_space<vmem>> -> memref<64xf32, #tpu.memory_space<vmem>>
      %dma_start3A_199 = arith.constant 0 : i32
      %dma_start3A_200 = tpu.memref_slice %arg3[%reduce_sum3A_185, %dma_start3A_199] : memref<1000000x64xf32, #tpu.memory_space<hbm>> -> memref<1x64xf32, #tpu.memory_space<hbm>>
      %dma_start3A_201 = tpu.memref_squeeze %dma_start3A_200 : memref<1x64xf32, #tpu.memory_space<hbm>> -> memref<64xf32, #tpu.memory_space<hbm>>
      tpu.enqueue_dma source(%dma_start3A_201 : memref<64xf32, #tpu.memory_space<hbm>>) target(%dma_start3A_198 : memref<64xf32, #tpu.memory_space<vmem>>) target_semaphore(%arg9 : memref<!tpu.dma_semaphore, #tpu.memory_space<semaphore_mem>>)
      %eq3A_202 = arith.constant 7 : i32
      %eq3A_203 = vector.broadcast %eq3A_202 : i32 to vector<16xi32>
      %eq3A_204 = arith.cmpi eq, %iota3A, %eq3A_203 : vector<16xi32>
      %jit3A_205 = arith.constant 0 : i32
      %broadcast_in_dim3A_206 = vector.broadcast %jit3A_205 : i32 to vector<16xi32>
      %select_n3A_207 = arith.select %eq3A_204, %get3A_25, %broadcast_in_dim3A_206 : vector<16xi1>, vector<16xi32>
      %reduce_sum3A_208 = arith.constant true
      %reduce_sum3A_209 = vector.broadcast %reduce_sum3A_208 : i1 to vector<16xi1>
      %reduce_sum3A_210 = tpu.scan <sum>, %select_n3A_207 masked %reduce_sum3A_209 : vector<16xi32>, vector<16xi1> -> vector<16xi32>
      %reduce_sum3A_211 = vector.extract %reduce_sum3A_210[15] : i32 from vector<16xi32>
      %mul3A_212 = arith.constant 16 : i32
      %mul3A_213 = arith.muli %scan3A_21, %mul3A_212 : i32
      %add3A_214 = arith.constant 7 : i32
      %add3A_215 = arith.addi %mul3A_213, %add3A_214 : i32
      %dma_start3A_216 = arith.constant 0 : i32
      %dma_start3A_217 = tpu.memref_slice %arg7[%add3A_215, %dma_start3A_216] : memref<512x64xf32, #tpu.memory_space<vmem>> -> memref<1x64xf32, #tpu.memory_space<vmem>>
      %dma_start3A_218 = tpu.memref_squeeze %dma_start3A_217 : memref<1x64xf32, #tpu.memory_space<vmem>> -> memref<64xf32, #tpu.memory_space<vmem>>
      %dma_start3A_219 = arith.constant 0 : i32
      %dma_start3A_220 = tpu.memref_slice %arg3[%reduce_sum3A_211, %dma_start3A_219] : memref<1000000x64xf32, #tpu.memory_space<hbm>> -> memref<1x64xf32, #tpu.memory_space<hbm>>
      %dma_start3A_221 = tpu.memref_squeeze %dma_start3A_220 : memref<1x64xf32, #tpu.memory_space<hbm>> -> memref<64xf32, #tpu.memory_space<hbm>>
      %dma_start3A_222 = arith.constant 0 : i32
      %dma_start3A_223 = tpu.memref_slice %arg7[%add3A_215, %dma_start3A_222] : memref<512x64xf32, #tpu.memory_space<vmem>> -> memref<1x64xf32, #tpu.memory_space<vmem>>
      %dma_start3A_224 = tpu.memref_squeeze %dma_start3A_223 : memref<1x64xf32, #tpu.memory_space<vmem>> -> memref<64xf32, #tpu.memory_space<vmem>>
      %dma_start3A_225 = arith.constant 0 : i32
      %dma_start3A_226 = tpu.memref_slice %arg3[%reduce_sum3A_211, %dma_start3A_225] : memref<1000000x64xf32, #tpu.memory_space<hbm>> -> memref<1x64xf32, #tpu.memory_space<hbm>>
      %dma_start3A_227 = tpu.memref_squeeze %dma_start3A_226 : memref<1x64xf32, #tpu.memory_space<hbm>> -> memref<64xf32, #tpu.memory_space<hbm>>
      tpu.enqueue_dma source(%dma_start3A_227 : memref<64xf32, #tpu.memory_space<hbm>>) target(%dma_start3A_224 : memref<64xf32, #tpu.memory_space<vmem>>) target_semaphore(%arg9 : memref<!tpu.dma_semaphore, #tpu.memory_space<semaphore_mem>>)
      %eq3A_228 = arith.constant 8 : i32
      %eq3A_229 = vector.broadcast %eq3A_228 : i32 to vector<16xi32>
      %eq3A_230 = arith.cmpi eq, %iota3A, %eq3A_229 : vector<16xi32>
      %jit3A_231 = arith.constant 0 : i32
      %broadcast_in_dim3A_232 = vector.broadcast %jit3A_231 : i32 to vector<16xi32>
      %select_n3A_233 = arith.select %eq3A_230, %get3A_25, %broadcast_in_dim3A_232 : vector<16xi1>, vector<16xi32>
      %reduce_sum3A_234 = arith.constant true
      %reduce_sum3A_235 = vector.broadcast %reduce_sum3A_234 : i1 to vector<16xi1>
      %reduce_sum3A_236 = tpu.scan <sum>, %select_n3A_233 masked %reduce_sum3A_235 : vector<16xi32>, vector<16xi1> -> vector<16xi32>
      %reduce_sum3A_237 = vector.extract %reduce_sum3A_236[15] : i32 from vector<16xi32>
      %mul3A_238 = arith.constant 16 : i32
      %mul3A_239 = arith.muli %scan3A_21, %mul3A_238 : i32
      %add3A_240 = arith.constant 8 : i32
      %add3A_241 = arith.addi %mul3A_239, %add3A_240 : i32
      %dma_start3A_242 = arith.constant 0 : i32
      %dma_start3A_243 = tpu.memref_slice %arg7[%add3A_241, %dma_start3A_242] : memref<512x64xf32, #tpu.memory_space<vmem>> -> memref<1x64xf32, #tpu.memory_space<vmem>>
      %dma_start3A_244 = tpu.memref_squeeze %dma_start3A_243 : memref<1x64xf32, #tpu.memory_space<vmem>> -> memref<64xf32, #tpu.memory_space<vmem>>
      %dma_start3A_245 = arith.constant 0 : i32
      %dma_start3A_246 = tpu.memref_slice %arg3[%reduce_sum3A_237, %dma_start3A_245] : memref<1000000x64xf32, #tpu.memory_space<hbm>> -> memref<1x64xf32, #tpu.memory_space<hbm>>
      %dma_start3A_247 = tpu.memref_squeeze %dma_start3A_246 : memref<1x64xf32, #tpu.memory_space<hbm>> -> memref<64xf32, #tpu.memory_space<hbm>>
      %dma_start3A_248 = arith.constant 0 : i32
      %dma_start3A_249 = tpu.memref_slice %arg7[%add3A_241, %dma_start3A_248] : memref<512x64xf32, #tpu.memory_space<vmem>> -> memref<1x64xf32, #tpu.memory_space<vmem>>
      %dma_start3A_250 = tpu.memref_squeeze %dma_start3A_249 : memref<1x64xf32, #tpu.memory_space<vmem>> -> memref<64xf32, #tpu.memory_space<vmem>>
      %dma_start3A_251 = arith.constant 0 : i32
      %dma_start3A_252 = tpu.memref_slice %arg3[%reduce_sum3A_237, %dma_start3A_251] : memref<1000000x64xf32, #tpu.memory_space<hbm>> -> memref<1x64xf32, #tpu.memory_space<hbm>>
      %dma_start3A_253 = tpu.memref_squeeze %dma_start3A_252 : memref<1x64xf32, #tpu.memory_space<hbm>> -> memref<64xf32, #tpu.memory_space<hbm>>
      tpu.enqueue_dma source(%dma_start3A_253 : memref<64xf32, #tpu.memory_space<hbm>>) target(%dma_start3A_250 : memref<64xf32, #tpu.memory_space<vmem>>) target_semaphore(%arg9 : memref<!tpu.dma_semaphore, #tpu.memory_space<semaphore_mem>>)
      %eq3A_254 = arith.constant 9 : i32
      %eq3A_255 = vector.broadcast %eq3A_254 : i32 to vector<16xi32>
      %eq3A_256 = arith.cmpi eq, %iota3A, %eq3A_255 : vector<16xi32>
      %jit3A_257 = arith.constant 0 : i32
      %broadcast_in_dim3A_258 = vector.broadcast %jit3A_257 : i32 to vector<16xi32>
      %select_n3A_259 = arith.select %eq3A_256, %get3A_25, %broadcast_in_dim3A_258 : vector<16xi1>, vector<16xi32>
      %reduce_sum3A_260 = arith.constant true
      %reduce_sum3A_261 = vector.broadcast %reduce_sum3A_260 : i1 to vector<16xi1>
      %reduce_sum3A_262 = tpu.scan <sum>, %select_n3A_259 masked %reduce_sum3A_261 : vector<16xi32>, vector<16xi1> -> vector<16xi32>
      %reduce_sum3A_263 = vector.extract %reduce_sum3A_262[15] : i32 from vector<16xi32>
      %mul3A_264 = arith.constant 16 : i32
      %mul3A_265 = arith.muli %scan3A_21, %mul3A_264 : i32
      %add3A_266 = arith.constant 9 : i32
      %add3A_267 = arith.addi %mul3A_265, %add3A_266 : i32
      %dma_start3A_268 = arith.constant 0 : i32
      %dma_start3A_269 = tpu.memref_slice %arg7[%add3A_267, %dma_start3A_268] : memref<512x64xf32, #tpu.memory_space<vmem>> -> memref<1x64xf32, #tpu.memory_space<vmem>>
      %dma_start3A_270 = tpu.memref_squeeze %dma_start3A_269 : memref<1x64xf32, #tpu.memory_space<vmem>> -> memref<64xf32, #tpu.memory_space<vmem>>
      %dma_start3A_271 = arith.constant 0 : i32
      %dma_start3A_272 = tpu.memref_slice %arg3[%reduce_sum3A_263, %dma_start3A_271] : memref<1000000x64xf32, #tpu.memory_space<hbm>> -> memref<1x64xf32, #tpu.memory_space<hbm>>
      %dma_start3A_273 = tpu.memref_squeeze %dma_start3A_272 : memref<1x64xf32, #tpu.memory_space<hbm>> -> memref<64xf32, #tpu.memory_space<hbm>>
      %dma_start3A_274 = arith.constant 0 : i32
      %dma_start3A_275 = tpu.memref_slice %arg7[%add3A_267, %dma_start3A_274] : memref<512x64xf32, #tpu.memory_space<vmem>> -> memref<1x64xf32, #tpu.memory_space<vmem>>
      %dma_start3A_276 = tpu.memref_squeeze %dma_start3A_275 : memref<1x64xf32, #tpu.memory_space<vmem>> -> memref<64xf32, #tpu.memory_space<vmem>>
      %dma_start3A_277 = arith.constant 0 : i32
      %dma_start3A_278 = tpu.memref_slice %arg3[%reduce_sum3A_263, %dma_start3A_277] : memref<1000000x64xf32, #tpu.memory_space<hbm>> -> memref<1x64xf32, #tpu.memory_space<hbm>>
      %dma_start3A_279 = tpu.memref_squeeze %dma_start3A_278 : memref<1x64xf32, #tpu.memory_space<hbm>> -> memref<64xf32, #tpu.memory_space<hbm>>
      tpu.enqueue_dma source(%dma_start3A_279 : memref<64xf32, #tpu.memory_space<hbm>>) target(%dma_start3A_276 : memref<64xf32, #tpu.memory_space<vmem>>) target_semaphore(%arg9 : memref<!tpu.dma_semaphore, #tpu.memory_space<semaphore_mem>>)
      %eq3A_280 = arith.constant 10 : i32
      %eq3A_281 = vector.broadcast %eq3A_280 : i32 to vector<16xi32>
      %eq3A_282 = arith.cmpi eq, %iota3A, %eq3A_281 : vector<16xi32>
      %jit3A_283 = arith.constant 0 : i32
      %broadcast_in_dim3A_284 = vector.broadcast %jit3A_283 : i32 to vector<16xi32>
      %select_n3A_285 = arith.select %eq3A_282, %get3A_25, %broadcast_in_dim3A_284 : vector<16xi1>, vector<16xi32>
      %reduce_sum3A_286 = arith.constant true
      %reduce_sum3A_287 = vector.broadcast %reduce_sum3A_286 : i1 to vector<16xi1>
      %reduce_sum3A_288 = tpu.scan <sum>, %select_n3A_285 masked %reduce_sum3A_287 : vector<16xi32>, vector<16xi1> -> vector<16xi32>
      %reduce_sum3A_289 = vector.extract %reduce_sum3A_288[15] : i32 from vector<16xi32>
      %mul3A_290 = arith.constant 16 : i32
      %mul3A_291 = arith.muli %scan3A_21, %mul3A_290 : i32
      %add3A_292 = arith.constant 10 : i32
      %add3A_293 = arith.addi %mul3A_291, %add3A_292 : i32
      %dma_start3A_294 = arith.constant 0 : i32
      %dma_start3A_295 = tpu.memref_slice %arg7[%add3A_293, %dma_start3A_294] : memref<512x64xf32, #tpu.memory_space<vmem>> -> memref<1x64xf32, #tpu.memory_space<vmem>>
      %dma_start3A_296 = tpu.memref_squeeze %dma_start3A_295 : memref<1x64xf32, #tpu.memory_space<vmem>> -> memref<64xf32, #tpu.memory_space<vmem>>
      %dma_start3A_297 = arith.constant 0 : i32
      %dma_start3A_298 = tpu.memref_slice %arg3[%reduce_sum3A_289, %dma_start3A_297] : memref<1000000x64xf32, #tpu.memory_space<hbm>> -> memref<1x64xf32, #tpu.memory_space<hbm>>
      %dma_start3A_299 = tpu.memref_squeeze %dma_start3A_298 : memref<1x64xf32, #tpu.memory_space<hbm>> -> memref<64xf32, #tpu.memory_space<hbm>>
      %dma_start3A_300 = arith.constant 0 : i32
      %dma_start3A_301 = tpu.memref_slice %arg7[%add3A_293, %dma_start3A_300] : memref<512x64xf32, #tpu.memory_space<vmem>> -> memref<1x64xf32, #tpu.memory_space<vmem>>
      %dma_start3A_302 = tpu.memref_squeeze %dma_start3A_301 : memref<1x64xf32, #tpu.memory_space<vmem>> -> memref<64xf32, #tpu.memory_space<vmem>>
      %dma_start3A_303 = arith.constant 0 : i32
      %dma_start3A_304 = tpu.memref_slice %arg3[%reduce_sum3A_289, %dma_start3A_303] : memref<1000000x64xf32, #tpu.memory_space<hbm>> -> memref<1x64xf32, #tpu.memory_space<hbm>>
      %dma_start3A_305 = tpu.memref_squeeze %dma_start3A_304 : memref<1x64xf32, #tpu.memory_space<hbm>> -> memref<64xf32, #tpu.memory_space<hbm>>
      tpu.enqueue_dma source(%dma_start3A_305 : memref<64xf32, #tpu.memory_space<hbm>>) target(%dma_start3A_302 : memref<64xf32, #tpu.memory_space<vmem>>) target_semaphore(%arg9 : memref<!tpu.dma_semaphore, #tpu.memory_space<semaphore_mem>>)
      %eq3A_306 = arith.constant 11 : i32
      %eq3A_307 = vector.broadcast %eq3A_306 : i32 to vector<16xi32>
      %eq3A_308 = arith.cmpi eq, %iota3A, %eq3A_307 : vector<16xi32>
      %jit3A_309 = arith.constant 0 : i32
      %broadcast_in_dim3A_310 = vector.broadcast %jit3A_309 : i32 to vector<16xi32>
      %select_n3A_311 = arith.select %eq3A_308, %get3A_25, %broadcast_in_dim3A_310 : vector<16xi1>, vector<16xi32>
      %reduce_sum3A_312 = arith.constant true
      %reduce_sum3A_313 = vector.broadcast %reduce_sum3A_312 : i1 to vector<16xi1>
      %reduce_sum3A_314 = tpu.scan <sum>, %select_n3A_311 masked %reduce_sum3A_313 : vector<16xi32>, vector<16xi1> -> vector<16xi32>
      %reduce_sum3A_315 = vector.extract %reduce_sum3A_314[15] : i32 from vector<16xi32>
      %mul3A_316 = arith.constant 16 : i32
      %mul3A_317 = arith.muli %scan3A_21, %mul3A_316 : i32
      %add3A_318 = arith.constant 11 : i32
      %add3A_319 = arith.addi %mul3A_317, %add3A_318 : i32
      %dma_start3A_320 = arith.constant 0 : i32
      %dma_start3A_321 = tpu.memref_slice %arg7[%add3A_319, %dma_start3A_320] : memref<512x64xf32, #tpu.memory_space<vmem>> -> memref<1x64xf32, #tpu.memory_space<vmem>>
      %dma_start3A_322 = tpu.memref_squeeze %dma_start3A_321 : memref<1x64xf32, #tpu.memory_space<vmem>> -> memref<64xf32, #tpu.memory_space<vmem>>
      %dma_start3A_323 = arith.constant 0 : i32
      %dma_start3A_324 = tpu.memref_slice %arg3[%reduce_sum3A_315, %dma_start3A_323] : memref<1000000x64xf32, #tpu.memory_space<hbm>> -> memref<1x64xf32, #tpu.memory_space<hbm>>
      %dma_start3A_325 = tpu.memref_squeeze %dma_start3A_324 : memref<1x64xf32, #tpu.memory_space<hbm>> -> memref<64xf32, #tpu.memory_space<hbm>>
      %dma_start3A_326 = arith.constant 0 : i32
      %dma_start3A_327 = tpu.memref_slice %arg7[%add3A_319, %dma_start3A_326] : memref<512x64xf32, #tpu.memory_space<vmem>> -> memref<1x64xf32, #tpu.memory_space<vmem>>
      %dma_start3A_328 = tpu.memref_squeeze %dma_start3A_327 : memref<1x64xf32, #tpu.memory_space<vmem>> -> memref<64xf32, #tpu.memory_space<vmem>>
      %dma_start3A_329 = arith.constant 0 : i32
      %dma_start3A_330 = tpu.memref_slice %arg3[%reduce_sum3A_315, %dma_start3A_329] : memref<1000000x64xf32, #tpu.memory_space<hbm>> -> memref<1x64xf32, #tpu.memory_space<hbm>>
      %dma_start3A_331 = tpu.memref_squeeze %dma_start3A_330 : memref<1x64xf32, #tpu.memory_space<hbm>> -> memref<64xf32, #tpu.memory_space<hbm>>
      tpu.enqueue_dma source(%dma_start3A_331 : memref<64xf32, #tpu.memory_space<hbm>>) target(%dma_start3A_328 : memref<64xf32, #tpu.memory_space<vmem>>) target_semaphore(%arg9 : memref<!tpu.dma_semaphore, #tpu.memory_space<semaphore_mem>>)
      %eq3A_332 = arith.constant 12 : i32
      %eq3A_333 = vector.broadcast %eq3A_332 : i32 to vector<16xi32>
      %eq3A_334 = arith.cmpi eq, %iota3A, %eq3A_333 : vector<16xi32>
      %jit3A_335 = arith.constant 0 : i32
      %broadcast_in_dim3A_336 = vector.broadcast %jit3A_335 : i32 to vector<16xi32>
      %select_n3A_337 = arith.select %eq3A_334, %get3A_25, %broadcast_in_dim3A_336 : vector<16xi1>, vector<16xi32>
      %reduce_sum3A_338 = arith.constant true
      %reduce_sum3A_339 = vector.broadcast %reduce_sum3A_338 : i1 to vector<16xi1>
      %reduce_sum3A_340 = tpu.scan <sum>, %select_n3A_337 masked %reduce_sum3A_339 : vector<16xi32>, vector<16xi1> -> vector<16xi32>
      %reduce_sum3A_341 = vector.extract %reduce_sum3A_340[15] : i32 from vector<16xi32>
      %mul3A_342 = arith.constant 16 : i32
      %mul3A_343 = arith.muli %scan3A_21, %mul3A_342 : i32
      %add3A_344 = arith.constant 12 : i32
      %add3A_345 = arith.addi %mul3A_343, %add3A_344 : i32
      %dma_start3A_346 = arith.constant 0 : i32
      %dma_start3A_347 = tpu.memref_slice %arg7[%add3A_345, %dma_start3A_346] : memref<512x64xf32, #tpu.memory_space<vmem>> -> memref<1x64xf32, #tpu.memory_space<vmem>>
      %dma_start3A_348 = tpu.memref_squeeze %dma_start3A_347 : memref<1x64xf32, #tpu.memory_space<vmem>> -> memref<64xf32, #tpu.memory_space<vmem>>
      %dma_start3A_349 = arith.constant 0 : i32
      %dma_start3A_350 = tpu.memref_slice %arg3[%reduce_sum3A_341, %dma_start3A_349] : memref<1000000x64xf32, #tpu.memory_space<hbm>> -> memref<1x64xf32, #tpu.memory_space<hbm>>
      %dma_start3A_351 = tpu.memref_squeeze %dma_start3A_350 : memref<1x64xf32, #tpu.memory_space<hbm>> -> memref<64xf32, #tpu.memory_space<hbm>>
      %dma_start3A_352 = arith.constant 0 : i32
      %dma_start3A_353 = tpu.memref_slice %arg7[%add3A_345, %dma_start3A_352] : memref<512x64xf32, #tpu.memory_space<vmem>> -> memref<1x64xf32, #tpu.memory_space<vmem>>
      %dma_start3A_354 = tpu.memref_squeeze %dma_start3A_353 : memref<1x64xf32, #tpu.memory_space<vmem>> -> memref<64xf32, #tpu.memory_space<vmem>>
      %dma_start3A_355 = arith.constant 0 : i32
      %dma_start3A_356 = tpu.memref_slice %arg3[%reduce_sum3A_341, %dma_start3A_355] : memref<1000000x64xf32, #tpu.memory_space<hbm>> -> memref<1x64xf32, #tpu.memory_space<hbm>>
      %dma_start3A_357 = tpu.memref_squeeze %dma_start3A_356 : memref<1x64xf32, #tpu.memory_space<hbm>> -> memref<64xf32, #tpu.memory_space<hbm>>
      tpu.enqueue_dma source(%dma_start3A_357 : memref<64xf32, #tpu.memory_space<hbm>>) target(%dma_start3A_354 : memref<64xf32, #tpu.memory_space<vmem>>) target_semaphore(%arg9 : memref<!tpu.dma_semaphore, #tpu.memory_space<semaphore_mem>>)
      %eq3A_358 = arith.constant 13 : i32
      %eq3A_359 = vector.broadcast %eq3A_358 : i32 to vector<16xi32>
      %eq3A_360 = arith.cmpi eq, %iota3A, %eq3A_359 : vector<16xi32>
      %jit3A_361 = arith.constant 0 : i32
      %broadcast_in_dim3A_362 = vector.broadcast %jit3A_361 : i32 to vector<16xi32>
      %select_n3A_363 = arith.select %eq3A_360, %get3A_25, %broadcast_in_dim3A_362 : vector<16xi1>, vector<16xi32>
      %reduce_sum3A_364 = arith.constant true
      %reduce_sum3A_365 = vector.broadcast %reduce_sum3A_364 : i1 to vector<16xi1>
      %reduce_sum3A_366 = tpu.scan <sum>, %select_n3A_363 masked %reduce_sum3A_365 : vector<16xi32>, vector<16xi1> -> vector<16xi32>
      %reduce_sum3A_367 = vector.extract %reduce_sum3A_366[15] : i32 from vector<16xi32>
      %mul3A_368 = arith.constant 16 : i32
      %mul3A_369 = arith.muli %scan3A_21, %mul3A_368 : i32
      %add3A_370 = arith.constant 13 : i32
      %add3A_371 = arith.addi %mul3A_369, %add3A_370 : i32
      %dma_start3A_372 = arith.constant 0 : i32
      %dma_start3A_373 = tpu.memref_slice %arg7[%add3A_371, %dma_start3A_372] : memref<512x64xf32, #tpu.memory_space<vmem>> -> memref<1x64xf32, #tpu.memory_space<vmem>>
      %dma_start3A_374 = tpu.memref_squeeze %dma_start3A_373 : memref<1x64xf32, #tpu.memory_space<vmem>> -> memref<64xf32, #tpu.memory_space<vmem>>
      %dma_start3A_375 = arith.constant 0 : i32
      %dma_start3A_376 = tpu.memref_slice %arg3[%reduce_sum3A_367, %dma_start3A_375] : memref<1000000x64xf32, #tpu.memory_space<hbm>> -> memref<1x64xf32, #tpu.memory_space<hbm>>
      %dma_start3A_377 = tpu.memref_squeeze %dma_start3A_376 : memref<1x64xf32, #tpu.memory_space<hbm>> -> memref<64xf32, #tpu.memory_space<hbm>>
      %dma_start3A_378 = arith.constant 0 : i32
      %dma_start3A_379 = tpu.memref_slice %arg7[%add3A_371, %dma_start3A_378] : memref<512x64xf32, #tpu.memory_space<vmem>> -> memref<1x64xf32, #tpu.memory_space<vmem>>
      %dma_start3A_380 = tpu.memref_squeeze %dma_start3A_379 : memref<1x64xf32, #tpu.memory_space<vmem>> -> memref<64xf32, #tpu.memory_space<vmem>>
      %dma_start3A_381 = arith.constant 0 : i32
      %dma_start3A_382 = tpu.memref_slice %arg3[%reduce_sum3A_367, %dma_start3A_381] : memref<1000000x64xf32, #tpu.memory_space<hbm>> -> memref<1x64xf32, #tpu.memory_space<hbm>>
      %dma_start3A_383 = tpu.memref_squeeze %dma_start3A_382 : memref<1x64xf32, #tpu.memory_space<hbm>> -> memref<64xf32, #tpu.memory_space<hbm>>
      tpu.enqueue_dma source(%dma_start3A_383 : memref<64xf32, #tpu.memory_space<hbm>>) target(%dma_start3A_380 : memref<64xf32, #tpu.memory_space<vmem>>) target_semaphore(%arg9 : memref<!tpu.dma_semaphore, #tpu.memory_space<semaphore_mem>>)
      %eq3A_384 = arith.constant 14 : i32
      %eq3A_385 = vector.broadcast %eq3A_384 : i32 to vector<16xi32>
      %eq3A_386 = arith.cmpi eq, %iota3A, %eq3A_385 : vector<16xi32>
      %jit3A_387 = arith.constant 0 : i32
      %broadcast_in_dim3A_388 = vector.broadcast %jit3A_387 : i32 to vector<16xi32>
      %select_n3A_389 = arith.select %eq3A_386, %get3A_25, %broadcast_in_dim3A_388 : vector<16xi1>, vector<16xi32>
      %reduce_sum3A_390 = arith.constant true
      %reduce_sum3A_391 = vector.broadcast %reduce_sum3A_390 : i1 to vector<16xi1>
      %reduce_sum3A_392 = tpu.scan <sum>, %select_n3A_389 masked %reduce_sum3A_391 : vector<16xi32>, vector<16xi1> -> vector<16xi32>
      %reduce_sum3A_393 = vector.extract %reduce_sum3A_392[15] : i32 from vector<16xi32>
      %mul3A_394 = arith.constant 16 : i32
      %mul3A_395 = arith.muli %scan3A_21, %mul3A_394 : i32
      %add3A_396 = arith.constant 14 : i32
      %add3A_397 = arith.addi %mul3A_395, %add3A_396 : i32
      %dma_start3A_398 = arith.constant 0 : i32
      %dma_start3A_399 = tpu.memref_slice %arg7[%add3A_397, %dma_start3A_398] : memref<512x64xf32, #tpu.memory_space<vmem>> -> memref<1x64xf32, #tpu.memory_space<vmem>>
      %dma_start3A_400 = tpu.memref_squeeze %dma_start3A_399 : memref<1x64xf32, #tpu.memory_space<vmem>> -> memref<64xf32, #tpu.memory_space<vmem>>
      %dma_start3A_401 = arith.constant 0 : i32
      %dma_start3A_402 = tpu.memref_slice %arg3[%reduce_sum3A_393, %dma_start3A_401] : memref<1000000x64xf32, #tpu.memory_space<hbm>> -> memref<1x64xf32, #tpu.memory_space<hbm>>
      %dma_start3A_403 = tpu.memref_squeeze %dma_start3A_402 : memref<1x64xf32, #tpu.memory_space<hbm>> -> memref<64xf32, #tpu.memory_space<hbm>>
      %dma_start3A_404 = arith.constant 0 : i32
      %dma_start3A_405 = tpu.memref_slice %arg7[%add3A_397, %dma_start3A_404] : memref<512x64xf32, #tpu.memory_space<vmem>> -> memref<1x64xf32, #tpu.memory_space<vmem>>
      %dma_start3A_406 = tpu.memref_squeeze %dma_start3A_405 : memref<1x64xf32, #tpu.memory_space<vmem>> -> memref<64xf32, #tpu.memory_space<vmem>>
      %dma_start3A_407 = arith.constant 0 : i32
      %dma_start3A_408 = tpu.memref_slice %arg3[%reduce_sum3A_393, %dma_start3A_407] : memref<1000000x64xf32, #tpu.memory_space<hbm>> -> memref<1x64xf32, #tpu.memory_space<hbm>>
      %dma_start3A_409 = tpu.memref_squeeze %dma_start3A_408 : memref<1x64xf32, #tpu.memory_space<hbm>> -> memref<64xf32, #tpu.memory_space<hbm>>
      tpu.enqueue_dma source(%dma_start3A_409 : memref<64xf32, #tpu.memory_space<hbm>>) target(%dma_start3A_406 : memref<64xf32, #tpu.memory_space<vmem>>) target_semaphore(%arg9 : memref<!tpu.dma_semaphore, #tpu.memory_space<semaphore_mem>>)
      %eq3A_410 = arith.constant 15 : i32
      %eq3A_411 = vector.broadcast %eq3A_410 : i32 to vector<16xi32>
      %eq3A_412 = arith.cmpi eq, %iota3A, %eq3A_411 : vector<16xi32>
      %jit3A_413 = arith.constant 0 : i32
      %broadcast_in_dim3A_414 = vector.broadcast %jit3A_413 : i32 to vector<16xi32>
      %select_n3A_415 = arith.select %eq3A_412, %get3A_25, %broadcast_in_dim3A_414 : vector<16xi1>, vector<16xi32>
      %reduce_sum3A_416 = arith.constant true
      %reduce_sum3A_417 = vector.broadcast %reduce_sum3A_416 : i1 to vector<16xi1>
      %reduce_sum3A_418 = tpu.scan <sum>, %select_n3A_415 masked %reduce_sum3A_417 : vector<16xi32>, vector<16xi1> -> vector<16xi32>
      %reduce_sum3A_419 = vector.extract %reduce_sum3A_418[15] : i32 from vector<16xi32>
      %mul3A_420 = arith.constant 16 : i32
      %mul3A_421 = arith.muli %scan3A_21, %mul3A_420 : i32
      %add3A_422 = arith.constant 15 : i32
      %add3A_423 = arith.addi %mul3A_421, %add3A_422 : i32
      %dma_start3A_424 = arith.constant 0 : i32
      %dma_start3A_425 = tpu.memref_slice %arg7[%add3A_423, %dma_start3A_424] : memref<512x64xf32, #tpu.memory_space<vmem>> -> memref<1x64xf32, #tpu.memory_space<vmem>>
      %dma_start3A_426 = tpu.memref_squeeze %dma_start3A_425 : memref<1x64xf32, #tpu.memory_space<vmem>> -> memref<64xf32, #tpu.memory_space<vmem>>
      %dma_start3A_427 = arith.constant 0 : i32
      %dma_start3A_428 = tpu.memref_slice %arg3[%reduce_sum3A_419, %dma_start3A_427] : memref<1000000x64xf32, #tpu.memory_space<hbm>> -> memref<1x64xf32, #tpu.memory_space<hbm>>
      %dma_start3A_429 = tpu.memref_squeeze %dma_start3A_428 : memref<1x64xf32, #tpu.memory_space<hbm>> -> memref<64xf32, #tpu.memory_space<hbm>>
      %dma_start3A_430 = arith.constant 0 : i32
      %dma_start3A_431 = tpu.memref_slice %arg7[%add3A_423, %dma_start3A_430] : memref<512x64xf32, #tpu.memory_space<vmem>> -> memref<1x64xf32, #tpu.memory_space<vmem>>
      %dma_start3A_432 = tpu.memref_squeeze %dma_start3A_431 : memref<1x64xf32, #tpu.memory_space<vmem>> -> memref<64xf32, #tpu.memory_space<vmem>>
      %dma_start3A_433 = arith.constant 0 : i32
      %dma_start3A_434 = tpu.memref_slice %arg3[%reduce_sum3A_419, %dma_start3A_433] : memref<1000000x64xf32, #tpu.memory_space<hbm>> -> memref<1x64xf32, #tpu.memory_space<hbm>>
      %dma_start3A_435 = tpu.memref_squeeze %dma_start3A_434 : memref<1x64xf32, #tpu.memory_space<hbm>> -> memref<64xf32, #tpu.memory_space<hbm>>
      tpu.enqueue_dma source(%dma_start3A_435 : memref<64xf32, #tpu.memory_space<hbm>>) target(%dma_start3A_432 : memref<64xf32, #tpu.memory_space<vmem>>) target_semaphore(%arg9 : memref<!tpu.dma_semaphore, #tpu.memory_space<semaphore_mem>>)
    }
    %scan3A_7 = arith.constant 32 : i32
    %scan3A_8 = arith.constant 0 : i32
    %scan3A_9 = arith.constant 0 : i32
    %scan3A_10 = arith.constant 512 : i32
    %scan3A_11 = arith.addi %scan3A_9, %scan3A_10 : i32
    %scan3A_12 = arith.constant 8 : i32
    scf.for %scan3A_21 = %scan3A_9 to %scan3A_11 step %scan3A_12  : i32 {
      %dma_wait3A = arith.constant 0 : i32
      %dma_wait3A_22 = arith.constant 0 : i32
      %dma_wait3A_23 = tpu.memref_slice %arg7[%scan3A_21, %dma_wait3A_22] : memref<512x64xf32, #tpu.memory_space<vmem>> -> memref<1x64xf32, #tpu.memory_space<vmem>>
      %dma_wait3A_24 = tpu.memref_squeeze %dma_wait3A_23 : memref<1x64xf32, #tpu.memory_space<vmem>> -> memref<64xf32, #tpu.memory_space<vmem>>
      %dma_wait3A_25 = arith.constant 0 : i32
      %dma_wait3A_26 = tpu.memref_slice %arg3[%dma_wait3A, %dma_wait3A_25] : memref<1000000x64xf32, #tpu.memory_space<hbm>> -> memref<1x64xf32, #tpu.memory_space<hbm>>
      %dma_wait3A_27 = tpu.memref_squeeze %dma_wait3A_26 : memref<1x64xf32, #tpu.memory_space<hbm>> -> memref<64xf32, #tpu.memory_space<hbm>>
      %dma_wait3A_28 = arith.constant 0 : i32
      %dma_wait3A_29 = tpu.memref_slice %arg7[%scan3A_21, %dma_wait3A_28] : memref<512x64xf32, #tpu.memory_space<vmem>> -> memref<1x64xf32, #tpu.memory_space<vmem>>
      %dma_wait3A_30 = tpu.memref_squeeze %dma_wait3A_29 : memref<1x64xf32, #tpu.memory_space<vmem>> -> memref<64xf32, #tpu.memory_space<vmem>>
      %dma_wait3A_31 = arith.constant 0 : i32
      %dma_wait3A_32 = tpu.memref_slice %arg3[%dma_wait3A, %dma_wait3A_31] : memref<1000000x64xf32, #tpu.memory_space<hbm>> -> memref<1x64xf32, #tpu.memory_space<hbm>>
      %dma_wait3A_33 = tpu.memref_squeeze %dma_wait3A_32 : memref<1x64xf32, #tpu.memory_space<hbm>> -> memref<64xf32, #tpu.memory_space<hbm>>
      tpu.wait_dma2 semaphore(%arg9 : memref<!tpu.dma_semaphore, #tpu.memory_space<semaphore_mem>>) src(%dma_wait3A_33 : memref<64xf32, #tpu.memory_space<hbm>>) dst(%dma_wait3A_30 : memref<64xf32, #tpu.memory_space<vmem>>)
      %scan3A_34 = arith.constant 1 : i32
      %scan3A_35 = arith.addi %scan3A_21, %scan3A_34 : i32
      %dma_wait3A_36 = arith.constant 0 : i32
      %dma_wait3A_37 = arith.constant 0 : i32
      %dma_wait3A_38 = tpu.memref_slice %arg7[%scan3A_35, %dma_wait3A_37] : memref<512x64xf32, #tpu.memory_space<vmem>> -> memref<1x64xf32, #tpu.memory_space<vmem>>
      %dma_wait3A_39 = tpu.memref_squeeze %dma_wait3A_38 : memref<1x64xf32, #tpu.memory_space<vmem>> -> memref<64xf32, #tpu.memory_space<vmem>>
      %dma_wait3A_40 = arith.constant 0 : i32
      %dma_wait3A_41 = tpu.memref_slice %arg3[%dma_wait3A_36, %dma_wait3A_40] : memref<1000000x64xf32, #tpu.memory_space<hbm>> -> memref<1x64xf32, #tpu.memory_space<hbm>>
      %dma_wait3A_42 = tpu.memref_squeeze %dma_wait3A_41 : memref<1x64xf32, #tpu.memory_space<hbm>> -> memref<64xf32, #tpu.memory_space<hbm>>
      %dma_wait3A_43 = arith.constant 0 : i32
      %dma_wait3A_44 = tpu.memref_slice %arg7[%scan3A_35, %dma_wait3A_43] : memref<512x64xf32, #tpu.memory_space<vmem>> -> memref<1x64xf32, #tpu.memory_space<vmem>>
      %dma_wait3A_45 = tpu.memref_squeeze %dma_wait3A_44 : memref<1x64xf32, #tpu.memory_space<vmem>> -> memref<64xf32, #tpu.memory_space<vmem>>
      %dma_wait3A_46 = arith.constant 0 : i32
      %dma_wait3A_47 = tpu.memref_slice %arg3[%dma_wait3A_36, %dma_wait3A_46] : memref<1000000x64xf32, #tpu.memory_space<hbm>> -> memref<1x64xf32, #tpu.memory_space<hbm>>
      %dma_wait3A_48 = tpu.memref_squeeze %dma_wait3A_47 : memref<1x64xf32, #tpu.memory_space<hbm>> -> memref<64xf32, #tpu.memory_space<hbm>>
      tpu.wait_dma2 semaphore(%arg9 : memref<!tpu.dma_semaphore, #tpu.memory_space<semaphore_mem>>) src(%dma_wait3A_48 : memref<64xf32, #tpu.memory_space<hbm>>) dst(%dma_wait3A_45 : memref<64xf32, #tpu.memory_space<vmem>>)
      %scan3A_49 = arith.constant 2 : i32
      %scan3A_50 = arith.addi %scan3A_21, %scan3A_49 : i32
      %dma_wait3A_51 = arith.constant 0 : i32
      %dma_wait3A_52 = arith.constant 0 : i32
      %dma_wait3A_53 = tpu.memref_slice %arg7[%scan3A_50, %dma_wait3A_52] : memref<512x64xf32, #tpu.memory_space<vmem>> -> memref<1x64xf32, #tpu.memory_space<vmem>>
      %dma_wait3A_54 = tpu.memref_squeeze %dma_wait3A_53 : memref<1x64xf32, #tpu.memory_space<vmem>> -> memref<64xf32, #tpu.memory_space<vmem>>
      %dma_wait3A_55 = arith.constant 0 : i32
      %dma_wait3A_56 = tpu.memref_slice %arg3[%dma_wait3A_51, %dma_wait3A_55] : memref<1000000x64xf32, #tpu.memory_space<hbm>> -> memref<1x64xf32, #tpu.memory_space<hbm>>
      %dma_wait3A_57 = tpu.memref_squeeze %dma_wait3A_56 : memref<1x64xf32, #tpu.memory_space<hbm>> -> memref<64xf32, #tpu.memory_space<hbm>>
      %dma_wait3A_58 = arith.constant 0 : i32
      %dma_wait3A_59 = tpu.memref_slice %arg7[%scan3A_50, %dma_wait3A_58] : memref<512x64xf32, #tpu.memory_space<vmem>> -> memref<1x64xf32, #tpu.memory_space<vmem>>
      %dma_wait3A_60 = tpu.memref_squeeze %dma_wait3A_59 : memref<1x64xf32, #tpu.memory_space<vmem>> -> memref<64xf32, #tpu.memory_space<vmem>>
      %dma_wait3A_61 = arith.constant 0 : i32
      %dma_wait3A_62 = tpu.memref_slice %arg3[%dma_wait3A_51, %dma_wait3A_61] : memref<1000000x64xf32, #tpu.memory_space<hbm>> -> memref<1x64xf32, #tpu.memory_space<hbm>>
      %dma_wait3A_63 = tpu.memref_squeeze %dma_wait3A_62 : memref<1x64xf32, #tpu.memory_space<hbm>> -> memref<64xf32, #tpu.memory_space<hbm>>
      tpu.wait_dma2 semaphore(%arg9 : memref<!tpu.dma_semaphore, #tpu.memory_space<semaphore_mem>>) src(%dma_wait3A_63 : memref<64xf32, #tpu.memory_space<hbm>>) dst(%dma_wait3A_60 : memref<64xf32, #tpu.memory_space<vmem>>)
      %scan3A_64 = arith.constant 3 : i32
      %scan3A_65 = arith.addi %scan3A_21, %scan3A_64 : i32
      %dma_wait3A_66 = arith.constant 0 : i32
      %dma_wait3A_67 = arith.constant 0 : i32
      %dma_wait3A_68 = tpu.memref_slice %arg7[%scan3A_65, %dma_wait3A_67] : memref<512x64xf32, #tpu.memory_space<vmem>> -> memref<1x64xf32, #tpu.memory_space<vmem>>
      %dma_wait3A_69 = tpu.memref_squeeze %dma_wait3A_68 : memref<1x64xf32, #tpu.memory_space<vmem>> -> memref<64xf32, #tpu.memory_space<vmem>>
      %dma_wait3A_70 = arith.constant 0 : i32
      %dma_wait3A_71 = tpu.memref_slice %arg3[%dma_wait3A_66, %dma_wait3A_70] : memref<1000000x64xf32, #tpu.memory_space<hbm>> -> memref<1x64xf32, #tpu.memory_space<hbm>>
      %dma_wait3A_72 = tpu.memref_squeeze %dma_wait3A_71 : memref<1x64xf32, #tpu.memory_space<hbm>> -> memref<64xf32, #tpu.memory_space<hbm>>
      %dma_wait3A_73 = arith.constant 0 : i32
      %dma_wait3A_74 = tpu.memref_slice %arg7[%scan3A_65, %dma_wait3A_73] : memref<512x64xf32, #tpu.memory_space<vmem>> -> memref<1x64xf32, #tpu.memory_space<vmem>>
      %dma_wait3A_75 = tpu.memref_squeeze %dma_wait3A_74 : memref<1x64xf32, #tpu.memory_space<vmem>> -> memref<64xf32, #tpu.memory_space<vmem>>
      %dma_wait3A_76 = arith.constant 0 : i32
      %dma_wait3A_77 = tpu.memref_slice %arg3[%dma_wait3A_66, %dma_wait3A_76] : memref<1000000x64xf32, #tpu.memory_space<hbm>> -> memref<1x64xf32, #tpu.memory_space<hbm>>
      %dma_wait3A_78 = tpu.memref_squeeze %dma_wait3A_77 : memref<1x64xf32, #tpu.memory_space<hbm>> -> memref<64xf32, #tpu.memory_space<hbm>>
      tpu.wait_dma2 semaphore(%arg9 : memref<!tpu.dma_semaphore, #tpu.memory_space<semaphore_mem>>) src(%dma_wait3A_78 : memref<64xf32, #tpu.memory_space<hbm>>) dst(%dma_wait3A_75 : memref<64xf32, #tpu.memory_space<vmem>>)
      %scan3A_79 = arith.constant 4 : i32
      %scan3A_80 = arith.addi %scan3A_21, %scan3A_79 : i32
      %dma_wait3A_81 = arith.constant 0 : i32
      %dma_wait3A_82 = arith.constant 0 : i32
      %dma_wait3A_83 = tpu.memref_slice %arg7[%scan3A_80, %dma_wait3A_82] : memref<512x64xf32, #tpu.memory_space<vmem>> -> memref<1x64xf32, #tpu.memory_space<vmem>>
      %dma_wait3A_84 = tpu.memref_squeeze %dma_wait3A_83 : memref<1x64xf32, #tpu.memory_space<vmem>> -> memref<64xf32, #tpu.memory_space<vmem>>
      %dma_wait3A_85 = arith.constant 0 : i32
      %dma_wait3A_86 = tpu.memref_slice %arg3[%dma_wait3A_81, %dma_wait3A_85] : memref<1000000x64xf32, #tpu.memory_space<hbm>> -> memref<1x64xf32, #tpu.memory_space<hbm>>
      %dma_wait3A_87 = tpu.memref_squeeze %dma_wait3A_86 : memref<1x64xf32, #tpu.memory_space<hbm>> -> memref<64xf32, #tpu.memory_space<hbm>>
      %dma_wait3A_88 = arith.constant 0 : i32
      %dma_wait3A_89 = tpu.memref_slice %arg7[%scan3A_80, %dma_wait3A_88] : memref<512x64xf32, #tpu.memory_space<vmem>> -> memref<1x64xf32, #tpu.memory_space<vmem>>
      %dma_wait3A_90 = tpu.memref_squeeze %dma_wait3A_89 : memref<1x64xf32, #tpu.memory_space<vmem>> -> memref<64xf32, #tpu.memory_space<vmem>>
      %dma_wait3A_91 = arith.constant 0 : i32
      %dma_wait3A_92 = tpu.memref_slice %arg3[%dma_wait3A_81, %dma_wait3A_91] : memref<1000000x64xf32, #tpu.memory_space<hbm>> -> memref<1x64xf32, #tpu.memory_space<hbm>>
      %dma_wait3A_93 = tpu.memref_squeeze %dma_wait3A_92 : memref<1x64xf32, #tpu.memory_space<hbm>> -> memref<64xf32, #tpu.memory_space<hbm>>
      tpu.wait_dma2 semaphore(%arg9 : memref<!tpu.dma_semaphore, #tpu.memory_space<semaphore_mem>>) src(%dma_wait3A_93 : memref<64xf32, #tpu.memory_space<hbm>>) dst(%dma_wait3A_90 : memref<64xf32, #tpu.memory_space<vmem>>)
      %scan3A_94 = arith.constant 5 : i32
      %scan3A_95 = arith.addi %scan3A_21, %scan3A_94 : i32
      %dma_wait3A_96 = arith.constant 0 : i32
      %dma_wait3A_97 = arith.constant 0 : i32
      %dma_wait3A_98 = tpu.memref_slice %arg7[%scan3A_95, %dma_wait3A_97] : memref<512x64xf32, #tpu.memory_space<vmem>> -> memref<1x64xf32, #tpu.memory_space<vmem>>
      %dma_wait3A_99 = tpu.memref_squeeze %dma_wait3A_98 : memref<1x64xf32, #tpu.memory_space<vmem>> -> memref<64xf32, #tpu.memory_space<vmem>>
      %dma_wait3A_100 = arith.constant 0 : i32
      %dma_wait3A_101 = tpu.memref_slice %arg3[%dma_wait3A_96, %dma_wait3A_100] : memref<1000000x64xf32, #tpu.memory_space<hbm>> -> memref<1x64xf32, #tpu.memory_space<hbm>>
      %dma_wait3A_102 = tpu.memref_squeeze %dma_wait3A_101 : memref<1x64xf32, #tpu.memory_space<hbm>> -> memref<64xf32, #tpu.memory_space<hbm>>
      %dma_wait3A_103 = arith.constant 0 : i32
      %dma_wait3A_104 = tpu.memref_slice %arg7[%scan3A_95, %dma_wait3A_103] : memref<512x64xf32, #tpu.memory_space<vmem>> -> memref<1x64xf32, #tpu.memory_space<vmem>>
      %dma_wait3A_105 = tpu.memref_squeeze %dma_wait3A_104 : memref<1x64xf32, #tpu.memory_space<vmem>> -> memref<64xf32, #tpu.memory_space<vmem>>
      %dma_wait3A_106 = arith.constant 0 : i32
      %dma_wait3A_107 = tpu.memref_slice %arg3[%dma_wait3A_96, %dma_wait3A_106] : memref<1000000x64xf32, #tpu.memory_space<hbm>> -> memref<1x64xf32, #tpu.memory_space<hbm>>
      %dma_wait3A_108 = tpu.memref_squeeze %dma_wait3A_107 : memref<1x64xf32, #tpu.memory_space<hbm>> -> memref<64xf32, #tpu.memory_space<hbm>>
      tpu.wait_dma2 semaphore(%arg9 : memref<!tpu.dma_semaphore, #tpu.memory_space<semaphore_mem>>) src(%dma_wait3A_108 : memref<64xf32, #tpu.memory_space<hbm>>) dst(%dma_wait3A_105 : memref<64xf32, #tpu.memory_space<vmem>>)
      %scan3A_109 = arith.constant 6 : i32
      %scan3A_110 = arith.addi %scan3A_21, %scan3A_109 : i32
      %dma_wait3A_111 = arith.constant 0 : i32
      %dma_wait3A_112 = arith.constant 0 : i32
      %dma_wait3A_113 = tpu.memref_slice %arg7[%scan3A_110, %dma_wait3A_112] : memref<512x64xf32, #tpu.memory_space<vmem>> -> memref<1x64xf32, #tpu.memory_space<vmem>>
      %dma_wait3A_114 = tpu.memref_squeeze %dma_wait3A_113 : memref<1x64xf32, #tpu.memory_space<vmem>> -> memref<64xf32, #tpu.memory_space<vmem>>
      %dma_wait3A_115 = arith.constant 0 : i32
      %dma_wait3A_116 = tpu.memref_slice %arg3[%dma_wait3A_111, %dma_wait3A_115] : memref<1000000x64xf32, #tpu.memory_space<hbm>> -> memref<1x64xf32, #tpu.memory_space<hbm>>
      %dma_wait3A_117 = tpu.memref_squeeze %dma_wait3A_116 : memref<1x64xf32, #tpu.memory_space<hbm>> -> memref<64xf32, #tpu.memory_space<hbm>>
      %dma_wait3A_118 = arith.constant 0 : i32
      %dma_wait3A_119 = tpu.memref_slice %arg7[%scan3A_110, %dma_wait3A_118] : memref<512x64xf32, #tpu.memory_space<vmem>> -> memref<1x64xf32, #tpu.memory_space<vmem>>
      %dma_wait3A_120 = tpu.memref_squeeze %dma_wait3A_119 : memref<1x64xf32, #tpu.memory_space<vmem>> -> memref<64xf32, #tpu.memory_space<vmem>>
      %dma_wait3A_121 = arith.constant 0 : i32
      %dma_wait3A_122 = tpu.memref_slice %arg3[%dma_wait3A_111, %dma_wait3A_121] : memref<1000000x64xf32, #tpu.memory_space<hbm>> -> memref<1x64xf32, #tpu.memory_space<hbm>>
      %dma_wait3A_123 = tpu.memref_squeeze %dma_wait3A_122 : memref<1x64xf32, #tpu.memory_space<hbm>> -> memref<64xf32, #tpu.memory_space<hbm>>
      tpu.wait_dma2 semaphore(%arg9 : memref<!tpu.dma_semaphore, #tpu.memory_space<semaphore_mem>>) src(%dma_wait3A_123 : memref<64xf32, #tpu.memory_space<hbm>>) dst(%dma_wait3A_120 : memref<64xf32, #tpu.memory_space<vmem>>)
      %scan3A_124 = arith.constant 7 : i32
      %scan3A_125 = arith.addi %scan3A_21, %scan3A_124 : i32
      %dma_wait3A_126 = arith.constant 0 : i32
      %dma_wait3A_127 = arith.constant 0 : i32
      %dma_wait3A_128 = tpu.memref_slice %arg7[%scan3A_125, %dma_wait3A_127] : memref<512x64xf32, #tpu.memory_space<vmem>> -> memref<1x64xf32, #tpu.memory_space<vmem>>
      %dma_wait3A_129 = tpu.memref_squeeze %dma_wait3A_128 : memref<1x64xf32, #tpu.memory_space<vmem>> -> memref<64xf32, #tpu.memory_space<vmem>>
      %dma_wait3A_130 = arith.constant 0 : i32
      %dma_wait3A_131 = tpu.memref_slice %arg3[%dma_wait3A_126, %dma_wait3A_130] : memref<1000000x64xf32, #tpu.memory_space<hbm>> -> memref<1x64xf32, #tpu.memory_space<hbm>>
      %dma_wait3A_132 = tpu.memref_squeeze %dma_wait3A_131 : memref<1x64xf32, #tpu.memory_space<hbm>> -> memref<64xf32, #tpu.memory_space<hbm>>
      %dma_wait3A_133 = arith.constant 0 : i32
      %dma_wait3A_134 = tpu.memref_slice %arg7[%scan3A_125, %dma_wait3A_133] : memref<512x64xf32, #tpu.memory_space<vmem>> -> memref<1x64xf32, #tpu.memory_space<vmem>>
      %dma_wait3A_135 = tpu.memref_squeeze %dma_wait3A_134 : memref<1x64xf32, #tpu.memory_space<vmem>> -> memref<64xf32, #tpu.memory_space<vmem>>
      %dma_wait3A_136 = arith.constant 0 : i32
      %dma_wait3A_137 = tpu.memref_slice %arg3[%dma_wait3A_126, %dma_wait3A_136] : memref<1000000x64xf32, #tpu.memory_space<hbm>> -> memref<1x64xf32, #tpu.memory_space<hbm>>
      %dma_wait3A_138 = tpu.memref_squeeze %dma_wait3A_137 : memref<1x64xf32, #tpu.memory_space<hbm>> -> memref<64xf32, #tpu.memory_space<hbm>>
      tpu.wait_dma2 semaphore(%arg9 : memref<!tpu.dma_semaphore, #tpu.memory_space<semaphore_mem>>) src(%dma_wait3A_138 : memref<64xf32, #tpu.memory_space<hbm>>) dst(%dma_wait3A_135 : memref<64xf32, #tpu.memory_space<vmem>>)
    }
    %scan3A_13 = arith.constant 512 : i32
    %get3A = arith.constant 0 : index
    %get3A_14 = tpu.vector_load %arg8[%get3A] {strides = array<i32>} : memref<16xf32, #tpu.memory_space<vmem>>, vector<16xf32>,
    %scan3A_15 = arith.constant 0 : i32
    %scan3A_16 = arith.constant 0 : i32
    %scan3A_17 = arith.constant 512 : i32
    %scan3A_18 = arith.addi %scan3A_16, %scan3A_17 : i32
    %scan3A_19 = arith.constant 8 : i32
    scf.for %scan3A_21 = %scan3A_16 to %scan3A_18 step %scan3A_19  : i32 {
      %swap3A = arith.index_cast %scan3A_21 : i32 to index
      %swap3A_22 = arith.constant 0 : index
      %swap3A_23 = tpu.vector_load %arg7[%swap3A, %swap3A_22] {strides = array<i32>} : memref<512x64xf32, #tpu.memory_space<vmem>>, vector<16xf32>,
      tpu.vector_store %arg7[%swap3A, %swap3A_22], %get3A_14 {strides = array<i32>} : memref<512x64xf32, #tpu.memory_space<vmem>>, vector<16xf32>,
      %scan3A_24 = arith.constant 1 : i32
      %scan3A_25 = arith.addi %scan3A_21, %scan3A_24 : i32
      %swap3A_26 = arith.index_cast %scan3A_25 : i32 to index
      %swap3A_27 = arith.constant 0 : index
      %swap3A_28 = tpu.vector_load %arg7[%swap3A_26, %swap3A_27] {strides = array<i32>} : memref<512x64xf32, #tpu.memory_space<vmem>>, vector<16xf32>,
      tpu.vector_store %arg7[%swap3A_26, %swap3A_27], %get3A_14 {strides = array<i32>} : memref<512x64xf32, #tpu.memory_space<vmem>>, vector<16xf32>,
      %scan3A_29 = arith.constant 2 : i32
      %scan3A_30 = arith.addi %scan3A_21, %scan3A_29 : i32
      %swap3A_31 = arith.index_cast %scan3A_30 : i32 to index
      %swap3A_32 = arith.constant 0 : index
      %swap3A_33 = tpu.vector_load %arg7[%swap3A_31, %swap3A_32] {strides = array<i32>} : memref<512x64xf32, #tpu.memory_space<vmem>>, vector<16xf32>,
      tpu.vector_store %arg7[%swap3A_31, %swap3A_32], %get3A_14 {strides = array<i32>} : memref<512x64xf32, #tpu.memory_space<vmem>>, vector<16xf32>,
      %scan3A_34 = arith.constant 3 : i32
      %scan3A_35 = arith.addi %scan3A_21, %scan3A_34 : i32
      %swap3A_36 = arith.index_cast %scan3A_35 : i32 to index
      %swap3A_37 = arith.constant 0 : index
      %swap3A_38 = tpu.vector_load %arg7[%swap3A_36, %swap3A_37] {strides = array<i32>} : memref<512x64xf32, #tpu.memory_space<vmem>>, vector<16xf32>,
      tpu.vector_store %arg7[%swap3A_36, %swap3A_37], %get3A_14 {strides = array<i32>} : memref<512x64xf32, #tpu.memory_space<vmem>>, vector<16xf32>,
      %scan3A_39 = arith.constant 4 : i32
      %scan3A_40 = arith.addi %scan3A_21, %scan3A_39 : i32
      %swap3A_41 = arith.index_cast %scan3A_40 : i32 to index
      %swap3A_42 = arith.constant 0 : index
      %swap3A_43 = tpu.vector_load %arg7[%swap3A_41, %swap3A_42] {strides = array<i32>} : memref<512x64xf32, #tpu.memory_space<vmem>>, vector<16xf32>,
      tpu.vector_store %arg7[%swap3A_41, %swap3A_42], %get3A_14 {strides = array<i32>} : memref<512x64xf32, #tpu.memory_space<vmem>>, vector<16xf32>,
      %scan3A_44 = arith.constant 5 : i32
      %scan3A_45 = arith.addi %scan3A_21, %scan3A_44 : i32
      %swap3A_46 = arith.index_cast %scan3A_45 : i32 to index
      %swap3A_47 = arith.constant 0 : index
      %swap3A_48 = tpu.vector_load %arg7[%swap3A_46, %swap3A_47] {strides = array<i32>} : memref<512x64xf32, #tpu.memory_space<vmem>>, vector<16xf32>,
      tpu.vector_store %arg7[%swap3A_46, %swap3A_47], %get3A_14 {strides = array<i32>} : memref<512x64xf32, #tpu.memory_space<vmem>>, vector<16xf32>,
      %scan3A_49 = arith.constant 6 : i32
      %scan3A_50 = arith.addi %scan3A_21, %scan3A_49 : i32
      %swap3A_51 = arith.index_cast %scan3A_50 : i32 to index
      %swap3A_52 = arith.constant 0 : index
      %swap3A_53 = tpu.vector_load %arg7[%swap3A_51, %swap3A_52] {strides = array<i32>} : memref<512x64xf32, #tpu.memory_space<vmem>>, vector<16xf32>,
      tpu.vector_store %arg7[%swap3A_51, %swap3A_52], %get3A_14 {strides = array<i32>} : memref<512x64xf32, #tpu.memory_space<vmem>>, vector<16xf32>,
      %scan3A_54 = arith.constant 7 : i32
      %scan3A_55 = arith.addi %scan3A_21, %scan3A_54 : i32
      %swap3A_56 = arith.index_cast %scan3A_55 : i32 to index
      %swap3A_57 = arith.constant 0 : index
      %swap3A_58 = tpu.vector_load %arg7[%swap3A_56, %swap3A_57] {strides = array<i32>} : memref<512x64xf32, #tpu.memory_space<vmem>>, vector<16xf32>,
      tpu.vector_store %arg7[%swap3A_56, %swap3A_57], %get3A_14 {strides = array<i32>} : memref<512x64xf32, #tpu.memory_space<vmem>>, vector<16xf32>,
    }
    %scan3A_20 = arith.constant 512 : i32
    "tpu.region"() ({
      %run_scoped3A_21 = tpu.sem_alloc : memref<!tpu.dma_semaphore, #tpu.memory_space<semaphore_mem>>
      %dma_start3A = arith.constant 0 : i32
      %dma_start3A_22 = tpu.memref_slice %arg5[%mul3A_2, %dma_start3A] : memref<16384x64xf32, #tpu.memory_space<hbm>> -> memref<512x64xf32, #tpu.memory_space<hbm>>
      %dma_start3A_23 = arith.constant 0 : i32
      %dma_start3A_24 = tpu.memref_slice %arg5[%mul3A_2, %dma_start3A_23] : memref<16384x64xf32, #tpu.memory_space<hbm>> -> memref<512x64xf32, #tpu.memory_space<hbm>>
      tpu.enqueue_dma source(%arg7 : memref<512x64xf32, #tpu.memory_space<vmem>>) target(%dma_start3A_24 : memref<512x64xf32, #tpu.memory_space<hbm>>) target_semaphore(%run_scoped3A_21 : memref<!tpu.dma_semaphore, #tpu.memory_space<semaphore_mem>>)
      %dma_wait3A = arith.constant 0 : i32
      %dma_wait3A_25 = tpu.memref_slice %arg5[%mul3A_2, %dma_wait3A] : memref<16384x64xf32, #tpu.memory_space<hbm>> -> memref<512x64xf32, #tpu.memory_space<hbm>>
      %dma_wait3A_26 = arith.constant 0 : i32
      %dma_wait3A_27 = tpu.memref_slice %arg5[%mul3A_2, %dma_wait3A_26] : memref<16384x64xf32, #tpu.memory_space<hbm>> -> memref<512x64xf32, #tpu.memory_space<hbm>>
      tpu.wait_dma2 semaphore(%run_scoped3A_21 : memref<!tpu.dma_semaphore, #tpu.memory_space<semaphore_mem>>) src(%arg7 : memref<512x64xf32, #tpu.memory_space<vmem>>) dst(%dma_wait3A_27 : memref<512x64xf32, #tpu.memory_space<hbm>>)
      tpu.yield
    }) : () -> ()
    return
  }
}

</mosaic_0001>

<sc_bundles>
// kernel: kernel.3.cloned.1.call-start
scs
__scs_entry_jumppad:
0x0: {  	(pc) =	sbr.rel $0x88, $3  }
0x1: {  	(tag) =	ssettag $0x0;
	lr =	simm.s32 $0x1  }
0x2: {  	[smem:$0x3F9E] =	sst lr;
	_ =	strace $0xD0000000  }
0x3: {  	_ = 	snop  }
0x4: {  	_ = 	snop  }
0x5: {  	_ = 	snop  }
0x6: {  	_ = 	snop  }
0x7: {  	_ = 	snop  }
__scs_overlays_trampoline_lowered:
0x8: {  	[smem:$0x3FAD] =	sst s0  }
0x9: {  	[smem:$0x3FAE] =	sst s1  }
0xa: {  	[smem:$0x3FAF] =	sst s2  }
0xb: {  	[smem:$0x3FB0] =	sst s3  }
0xc: {  	[smem:$0x3FB1] =	sst s4  }
0xd: {  	[smem:$0x3FB2] =	sst s5  }
0xe: {  	[smem:$0x3FB3] =	sst s6  }
0xf: {  	[smem:$0x3FB4] =	sst s7  }
0x10: {  	[smem:$0x3FB5] =	sst s8  }
0x11: {  	[smem:$0x3FB6] =	sst s9;
	s0 =	simm.s32 @!p0 $0x0  }
0x12: {  	s1 =	sld [smem:$0x3F9C];
	s0 =	simm.s32 @p0 $0x1  }
0x13: {  	[smem:$0x3FB7] =	sst s0;
	s0 =	simm.s32 @!p1 $0x0  }
0x14: {  	s2 =	sld [smem:$0x3F9B];
	s0 =	simm.s32 @p1 $0x1  }
0x15: {  	[smem:$0x3FB8] =	sst s0;
	s0 =	simm.s32 @!p2 $0x0  }
0x16: {  	s3 =	sld [smem:$0x3FDB];
	s0 =	simm.s32 @p2 $0x1  }
0x17: {  	s4 =	simm.s32 $0x1BF5;
	[smem:$0x3FBA] =	sst s0  }
0x18: {  	s0 =	sld [smem:$0x3F9D];
	_ =	swait.ge [sflag:s4], $0x0  }
0x19: {  	s7 =	sld [smem:$0x3F9E]  }
0x1a: {  	s8 =	sadd.s32 $0xFFFFE003, lr  }
0x1b: {  	s9 =	sadd.s32 $0xFFFFFEF7, lr;
	s5 =	simm.s32 $0xFFFFFFFF;
	p2 =	slt.u32 s8, $0xFFFFF086  }
0x1c: {  	p1 =	slt.u32 s9, $0xF7A;
	s5 =	simm.s32 @!p2 $0x0  }
0x1d: {  	s5 =	simm.s32 @p1 $0x1;
	p0 =	seq.s32 s7, s2  }
0x1e: {  	s7 =	smul.u32 @!p0 $0xF7A, s2;
	p2 =	seq.s32 @!p0 s5, $0x0  }
0x1f: {  	s9 =	smul.u32 $0xF7A, s1;
	s8 =	simm.s32 @!p0 $0x1BF5;
	p2 =	por !p2, p0  }
0x20: {  	[sflag:s8] =	ssyncset.s32 @!p0 $0xFFFFF086;
	s6 =	sadd.s32 @!p0 s3, s7;
	s7 =	simm.s32 @!p0 $0x108  }
0x21: {  	s3 =	sadd.s32 s3, s9;
	s6 =	sadd.s32 @!p0 $0x88, s6;
	s7 =	simm.s32 @p2 $0x1082  }
0x22: {  	[simem:s7], [sflag:s8] =	dma.local @!p0 [hbm:s6], $0xF7A  }
0x23: {  	s9 =	sor.u32 $0xD0000000, s2;
	s6 =	simm.s32 $0x108;
	_ =	swait.ge @!p0 [sflag:s8], $0x0  }
0x24: {  	s3 =	sadd.s32 $0x88, s3;
	s6 =	simm.s32 @!p1 $0x1082;
	[sflag:s4] =	ssyncset.s32 $0xFFFFF086  }
0x25: {  	[simem:s6], [sflag:s4] =	dma.local [hbm:s3], $0xF7A  }
0x26: {  	[smem:$0x3F9E] =	sst s1;
	(tag) =	ssettag s2;
	_ =	strace s9  }
0x27: {  	s1 =	sld [smem:$0x3FAE]  }
0x28: {  	s2 =	sld [smem:$0x3FAF]  }
0x29: {  	s4 =	sld [smem:$0x3FB1]  }
0x2a: {  	p0 =	seq.s32 s5, $0x0;
	s5 =	sld [smem:$0x3FB2]  }
0x2b: {  	s6 =	sld [smem:$0x3FB3]  }
0x2c: {  	s7 =	sld [smem:$0x3FB4]  }
0x2d: {  	s3 =	simm.s32 $0x108;
	s8 =	sld [smem:$0x3FB5]  }
0x2e: {  	s3 =	simm.s32 @!p0 $0x1082;
	s9 =	sld [smem:$0x3FB6]  }
0x2f: {  	lr =	sadd.s32 s0, s3;
	s0 =	sld [smem:$0x3FAD]  }
0x30: {  	s3 =	sld [smem:$0x3FB0]  }
0x31: {  	[smem:$0x3FB9] =	sst s10  }
0x32: {  	s10 =	sld [smem:$0x3FB7];
	_ =	sdelay $0x3  }
0x33: {  	p0 =	seq.s32 s10, $0x1;
	s10 =	sld [smem:$0x3FB9];
	_ =	sdelay $0x3  }
0x34: {  	[smem:$0x3FB9] =	sst s10  }
0x35: {  	s10 =	sld [smem:$0x3FB8];
	_ =	sdelay $0x3  }
0x36: {  	p1 =	seq.s32 s10, $0x1;
	s10 =	sld [smem:$0x3FB9];
	_ =	sdelay $0x3  }
0x37: {  	[smem:$0x3FB9] =	sst s10  }
0x38: {  	s10 =	sld [smem:$0x3FBA]  }
0x39: {  	_ = 	snop;
	(pc) =	sbr.ind lr, $3  }
0x3a: {  	_ = 	snop  }
0x3b: {  	_ = 	snop  }
0x3c: {  	p2 =	seq.s32 s10, $0x1;
	s10 =	sld [smem:$0x3FB9]  }
0x3d: {  	_ =	shalt  }
0x3e: {  	_ =	shalt  }
0x3f: {  	_ =	shalt  }
0x40: {  	_ =	shalt  }
0x41: {  	_ =	shalt  }
0x42: {  	_ =	shalt  }
0x43: {  	_ =	shalt  }
0x44: {  	_ =	shalt  }
0x45: {  	_ =	shalt  }
0x46: {  	_ =	shalt  }
0x47: {  	_ =	shalt  }
0x48: {  	_ =	shalt  }
0x49: {  	_ =	shalt  }
0x4a: {  	_ =	shalt  }
0x4b: {  	_ =	shalt  }
0x4c: {  	_ =	shalt  }
0x4d: {  	_ =	shalt  }
0x4e: {  	_ =	shalt  }
0x4f: {  	_ =	shalt  }
0x50: {  	_ =	shalt  }
0x51: {  	_ =	shalt  }
0x52: {  	_ =	shalt  }
0x53: {  	_ =	shalt  }
0x54: {  	_ =	shalt  }
0x55: {  	_ =	shalt  }
0x56: {  	_ =	shalt  }
0x57: {  	_ =	shalt  }
0x58: {  	_ =	shalt  }
0x59: {  	_ =	shalt  }
0x5a: {  	_ =	shalt  }
0x5b: {  	_ =	shalt  }
0x5c: {  	_ =	shalt  }
0x5d: {  	_ =	shalt  }
0x5e: {  	_ =	shalt  }
0x5f: {  	_ =	shalt  }
0x60: {  	_ =	shalt  }
0x61: {  	_ =	shalt  }
0x62: {  	_ =	shalt  }
0x63: {  	_ =	shalt  }
0x64: {  	_ =	shalt  }
0x65: {  	_ =	shalt  }
0x66: {  	_ =	shalt  }
0x67: {  	_ =	shalt  }
0x68: {  	_ =	shalt  }
0x69: {  	_ =	shalt  }
0x6a: {  	_ =	shalt  }
0x6b: {  	_ =	shalt  }
0x6c: {  	_ =	shalt  }
0x6d: {  	_ =	shalt  }
0x6e: {  	_ =	shalt  }
0x6f: {  	_ =	shalt  }
0x70: {  	_ =	shalt  }
0x71: {  	_ =	shalt  }
0x72: {  	_ =	shalt  }
0x73: {  	_ =	shalt  }
0x74: {  	_ =	shalt  }
0x75: {  	_ =	shalt  }
0x76: {  	_ =	shalt  }
0x77: {  	_ =	shalt  }
0x78: {  	_ =	shalt  }
0x79: {  	_ =	shalt  }
0x7a: {  	_ =	shalt  }
0x7b: {  	_ =	shalt  }
0x7c: {  	_ =	shalt  }
0x7d: {  	_ =	shalt  }
0x7e: {  	_ =	shalt  }
0x7f: {  	_ =	shalt  }
0x80: {  	_ =	shalt  }
0x81: {  	_ =	shalt  }
0x82: {  	_ =	shalt  }
0x83: {  	_ =	shalt  }
0x84: {  	_ =	shalt  }
0x85: {  	_ =	shalt  }
0x86: {  	_ =	shalt  }
0x87: {  	_ =	shalt  }
.Lfunc_end0:
.L_simem_size_0:
called_computation_lowered:
.L_overlay_start_0:
0x88: {  	s2 =	sld [smem:$0x3FD9]  }
0x89: {  	s3 =	sld [smem:$0x3FFE];
	_ =	sdelay $0x1  }
0x8a: {  	s1 =	srdreg.scid  }
0x8b: {  	s0 =	sand.u32 $0x1, s1  }
0x8c: {  	s17 =	sshll.u32 s0, $0xA;
	s2 =	sadd.s32 s3, s2  }
0x8d: {  	s2 =	sadd.s32 s2, s17  }
0x8e: {  	[smem:$0x3FC5] =	sst s2  }
0x8f: {  	_ = 	snop  }
0x90: {  	s2 =	sld [smem:$0x3FC9]  }
0x91: {  	s18 =	sld [smem:$0x3FC7];
	(tm) =	ssettm $0x1  }
0x92: {  	s4 =	sld [smem:$0x3FFB];
	_ =	sdelay $0x3  }
0x93: {  	_ =	strace s4  }
0x94: {  	s4 =	sld [smem:$0x3FFC];
	_ =	sdelay $0x3  }
0x95: {  	_ =	strace s4  }
0x96: {  	s4 =	sld [smem:$0x3FFD];
	_ =	sdelay $0x3  }
0x97: {  	_ =	strace s4  }
0x98: {  	_ =	strace $0x8FFFFFFF  }
0x99: {  	s19 =	sld [smem:$0x3FDB];
	_ =	sdelay $0x1  }
0x9a: {  	s5 =	simm.s32 $_scs_section_size  }
0x9b: {  	s6 =	simm.s32 $_size__tile_overlayer_lowered;
	s7 =	simm.s32 $_tile_overlayer_lowered  }
0x9c: {  	s22 =	simm.s32 $0x1BFF;
	s21 =	sshll.u32 s7, $0x1;
	s4 =	sadd.s32 s5, s19  }
0x9d: {  	s8 =	simm.s32 $0x0;
	s20 =	sshll.u32 s6, $0x1;
	s6 =	sadd.s32 s21, s4  }
0x9e: {  	[timem:s8], [sflag:s22] =	dma.local [hbm:s6], s20  }
0x9f: {  	_ =	swait.ge [sflag:s22], s20  }
0xa0: {  	s5 =	ssub.s32 $0x0, s20;
	[sflag:s22] =	ssyncset.done $0x0  }
0xa1: {  	[sflag:s22] =	ssyncadd.s32 s5;
	_ =	sdelay $0x1  }
0xa2: {  	s23 =	simm.s32 $0x1B8B  }
0xa3: {  	_ =	swait.ge [sflag:s23], $0x1  }
0xa4: {  	[sflag:s23] =	ssyncset.done $0x0  }
0xa5: {  	s25 =	simm.s32 $0x1B8E;
	s24 =	sld [smem:$0x3FFE];
	[sflag:s23] =	ssyncadd.s32 $0xFFFFFFFF  }
0xa6: {  	s26 =	simm.s32 $execute0_lowered;
	[smem:$0x3FD2] =	sst s25  }
0xa7: {  	s6 =	sshll.u32 s26, $0x1;
	_ =	strace $0x80000046;
	[dreg:$0x1] =	wrdreg $0xFFFFFFFF  }
0xa8: {  	s28 =	simm.s32 $_size_execute0_lowered;
	s4 =	sadd.s32 s4, s6;
	[dreg:$0x0] =	wrdreg $0x0  }
0xa9: {  	s6 =	sshll.u32 s28, $0x1;
	[dreg:$0x2] =	wrdreg s4  }
0xaa: {  	[dreg:$0x3] =	wrdreg s6  }
0xab: {  	[dreg:$0x4] =	wrdreg $0xC0  }
0xac: {  	_ =	task [dreg:s8], $0x5FFFF  }
0xad: {  	[dreg:$0x1] =	wrdreg $0xFFFFFFFF  }
0xae: {  	[dreg:$0x0] =	wrdreg $0x60  }
0xaf: {  	[dreg:$0x2] =	wrdreg s2  }
0xb0: {  	[dreg:$0x3] =	wrdreg s24  }
0xb1: {  	[dreg:$0x4] =	wrdreg s18  }
0xb2: {  	[dreg:$0x5] =	wrdreg $0x9  }
0xb3: {  	_ =	task.clear_ibuf [dreg:s8], $0x6FFFF;
	_ =	strace $0x90000046  }
0xb4: {  	s29 =	simm.s32 $0x9;
	_ =	strace $0x80000048  }
0xb5: {  	_ =	swait.ge [sflag:s29], $0x1  }
0xb6: {  	[sflag:s29] =	ssyncadd.s32 $0xFFFFFFFF  }
0xb7: {  	_ =	strace $0x90000048  }
0xb8: {  	_ =	sfence  }
0xb9: {  	s30 =	sld [smem:$0x0];
	_ =	sdelay $0x2  }
0xba: {  	s31 =	sshll.u32 s1, $0xD;
	s1 =	sshrl.u32 s1, $0x2  }
0xbb: {  	s3 =	sand.u32 $0x4000, s31;
	s1 =	sadd.s32 s1, s30  }
0xbc: {  	s0 =	sor.u32 s3, s0;
	s1 =	sshll.u32 s1, $0x11  }
0xbd: {  	s0 =	sor.u32 s1, s0  }
0xbe: {  	s0 =	sadd.s32 $0x8F2B, s0  }
0xbf: {  	[sflag:s0] =	ssyncadd.remote.s32 $0x1  }
0xc0: {  	_ =	sfence.sel $0xFFFF  }
0xc1: {  	[dreg:$0x0] =	wrdreg $0xFFFFFFFF;
	(pc) =	sbr.abs _section_cstart, $3  }
0xc2: {  	[dreg:$0x1] =	wrdreg $0xFFFFFFFF  }
0xc3: {  	_ =	task.clear_ibuf [dreg:s8], $0x2FFFF;
	_ =	strace $0x9FFFFFFF  }
0xc4: {  	(tm) =	ssettm $0x7FFFFFFF  }
0xc5: {  	_ =	shalt  }
tec
execute0_lowered:
.L_overlay_start_1:
0x0: {  	(tag) =	ssettag $0x1  }
0x1: {  	s5 =	rddreg [dreg:$0x0]  }
0x2: {  	s6 =	rddreg [dreg:$0x1];
	s4 =	srdreg.scid  }
0x3: {  	s3 =	simm.s32 $0x0;
	s0 =	stileid.u32;
	s10 =	simm.s32 $0x1  }
0x4: {  	vm0 =	vmmov $0x1;
	s12 =	simm.s32 $0x0;
	s7 =	sand.u32 $0x1, s4;
	[smem:$0x7FF] =	sst s3  }
0x5: {  	vm1 =	vcmask $0x308;
	vm2 =	vcmask $0x70C;
	vm3 =	vcmask $0xB10;
	s30 =	sshll.u32 s0, $0xA;
	s4 =	sadd.s32 $0x400, s6;
	s8 =	sshll.u32 s7, $0x9  }
0x6: {  	vm4 =	vcmask $0xF14;
	vm5 =	vcmask $0x1318;
	vm6 =	vcmask $0x171C;
	_ =	strace $0x80000047;
	s7 =	ssub.s32 $0x2, s7;
	s8 =	sor.u32 s8, s30  }
0x7: {  	vm7 =	vcmask $0x1B20;
	vm8 =	vcmask $0x1F24;
	vm9 =	vcmask $0x2328;
	s31 =	sshrl.u32 s7, $0x1;
	s9 =	sshll.u32 s8, $0x4;
	s8 =	sshrl.u32 s8, $0x3  }
0x8: {  	vm10 =	vcmask $0x272C;
	vm11 =	vcmask $0x2B30;
	vm12 =	vcmask $0x2F34;
	s7 =	ssub.s32 s7, s31;
	s6 =	sadd.s32 s9, s6;
	s5 =	sadd.s32 s5, s8  }
0x9: {  	vm13 =	vcmask $0x3338;
	vm14 =	vcmask $0x373C;
	vm15 =	vmmov $0x7fff;
	s7 =	smax.u32 s7, $0x1;
	s8 =	simm.s32 $0x2;
	s6 =	sadd.s32 $0xF42800, s6  }
.LBB2_1:
0xa: {  	[tilespmem:s3], [sflag:$0x2] =	stream.linear.gather [hbm4b:s5+s3], $0x200, $0x38;
	[tilespmem:$0x10280] =	vst v63  }
0xb: {  	_ =	swait.ge [sflag:s8], $0x200  }
0xc: {  	[sflag:s8] =	ssyncset.done $0x0  }
0xd: {  	[sflag:s8] =	ssyncadd.s32 $0xFFFFFE00  }
0xe: {  	s1 =	simm.s32 $0x10200;
	s0 =	rddreg [dreg:$0x2]  }
0xf: {  	[tilespmem:s1], [sflag:$0x2] =	stream.linear.gather [hbm4b:s0+s3], $0x80, $0x38;
	[tilespmem:$0x10280] =	vst v63  }
0x10: {  	_ =	swait.ge [sflag:s8], $0x80  }
0x11: {  	[sflag:s8] =	ssyncset.done $0x0  }
0x12: {  	[sflag:s8] =	ssyncadd.s32 $0xFFFFFF80  }
0x13: {  	v0 =	vld [tilespmem:s3+$0x0];
	_ =	sdelay $0x4  }
0x14: {  	v1 =	vnsel vm0, $0x0, v0  }
0x15: {  	v2 =	vsel vm2, $0x0, v0;
	(xrf0) =	vadd.scan.msk.s32 $0xffff, v1  }
0x16: {  	v40 =	vsel vm3, $0x0, v0;
	(xrf0) =	vadd.scan.msk.s32 $0xffff, v2  }
0x17: {  	v41 =	vsel vm1, $0x0, v0;
	(xrf0) =	vadd.scan.msk.s32 $0xffff, v40  }
0x18: {  	(xrf0) =	vadd.scan.msk.s32 $0xffff, v41;
	_ =	sdelay $0x2  }
0x19: {  	v42, _, _ =	vpop (xrf0)  }
0x1a: {  	v43 =	vsel vm8, $0x0, v0;
	(v2sf) =	vpush v42, $0xF;
	v44, _, _ =	vpop (xrf0)  }
0x1b: {  	v3 =	vsel vm9, $0x0, v0;
	(xrf0) =	vadd.scan.msk.s32 $0xffff, v43;
	(v2sf) =	vpush v44, $0xF;
	v45, _, _ =	vpop (xrf0)  }
0x1c: {  	v46 =	vsel vm5, $0x0, v0;
	(xrf0) =	vadd.scan.msk.s32 $0xffff, v3;
	v47, _, _ =	vpop (xrf0);
	(v2sf) =	vpush v45, $0xF  }
0x1d: {  	v48 =	vsel vm4, $0x0, v0;
	(xrf0) =	vadd.scan.msk.s32 $0xffff, v46;
	(v2sf) =	vpush v47, $0xF  }
0x1e: {  	(xrf0) =	vadd.scan.msk.s32 $0xffff, v48;
	_ =	sdelay $0x1  }
0x1f: {  	v49 =	vsel vm10, $0x0, v0  }
0x20: {  	v50 =	vsel vm11, $0x0, v0;
	(xrf0) =	vadd.scan.msk.s32 $0xffff, v49;
	v51, _, _ =	vpop (xrf0)  }
0x21: {  	v52 =	vsel vm12, $0x0, v0;
	(xrf0) =	vadd.scan.msk.s32 $0xffff, v50;
	v53, _, _ =	vpop (xrf0)  }
0x22: {  	v4 =	vsel vm13, $0x0, v0;
	(xrf0) =	vadd.scan.msk.s32 $0xffff, v52;
	(v2sf) =	vpush v51, $0xF;
	v54, _, _ =	vpop (xrf0)  }
0x23: {  	v55 =	vsel vm14, $0x0, v0;
	(xrf0) =	vadd.scan.msk.s32 $0xffff, v4;
	v56, _, _ =	vpop (xrf0)  }
0x24: {  	v5 =	vsel vm6, $0x0, v0;
	(xrf0) =	vadd.scan.msk.s32 $0xffff, v55;
	(v2sf) =	vpush v56, $0xF  }
0x25: {  	v57 =	vsel vm7, $0x0, v0;
	(xrf0) =	vadd.scan.msk.s32 $0xffff, v5  }
0x26: {  	s13 =	simm.s32 $0x2000;
	s14 =	simm.s32 $0x0;
	s22 =	simm.s32 $0x300;
	(xrf0) =	vadd.scan.msk.s32 $0xffff, v57;
	v58, _, _ =	vpop (xrf0);
	(v2sf) =	vpush v54, $0xF  }
0x27: {  	s23 =	simm.s32 $0x400;
	s18 =	simm.s32 $0x580;
	s15 =	simm.s32 $0x200;
	v59, _, _ =	vpop (xrf0)  }
0x28: {  	s24 =	simm.s32 $0x280;
	s19 =	simm.s32 $0x500;
	(v2sf) =	vpush v58, $0xF;
	v60, _, _ =	vpop (xrf0);
	s16 =	spop (v2sf)  }
0x29: {  	s25 =	simm.s32 $0x480;
	v61, _, _ =	vpop (xrf0);
	s16 =	sshll.u32 s16, $0x4;
	s26 =	spop (v2sf)  }
0x2a: {  	s17 =	simm.s32 $0x800;
	v62, _, _ =	vpop (xrf0);
	(v2sf) =	vpush v53, $0xF;
	s20 =	sand.u32 $0x1FFFFFF0, s16;
	s28 =	spop (v2sf)  }
0x2b: {  	s21 =	simm.s32 $0x700;
	v63, _, _ =	vpop (xrf0);
	s20 =	sadd.s32 s4, s20;
	s29 =	spop (v2sf)  }
0x2c: {  	v6, _, _ =	vpop (xrf0);
	(v2sf) =	vpush v63, $0xF;
	[tilespmem:s15], [sflag:$0x1] =	stream.linear.gather [hbm4b:s20+s3], $0x80, $0x38;
	[tilespmem:$0x10280] =	vst v63  }
0x2d: {  	s9 =	simm.s32 $0x380;
	(v2sf) =	vpush v6, $0xF;
	s26 =	sshll.u32 s26, $0x4;
	s29 =	sshll.u32 s29, $0x4  }
0x2e: {  	s16 =	simm.s32 $0x880;
	s26 =	sand.u32 $0x1FFFFFF0, s26;
	s29 =	sand.u32 $0x1FFFFFF0, s29  }
0x2f: {  	s28 =	sshll.u32 s28, $0x4;
	(v2sf) =	vpush v59, $0xF;
	s15 =	simm.s32 $0x10;
	s29 =	sadd.s32 s4, s29  }
0x30: {  	[tilespmem:s24], [sflag:$0x1] =	stream.linear.gather [hbm4b:s29+s3], $0x80, $0x38;
	[tilespmem:$0x10280] =	vst v63  }
0x31: {  	s28 =	sand.u32 $0x1FFFFFF0, s28;
	s26 =	sadd.s32 s4, s26;
	s1 =	spop (v2sf)  }
0x32: {  	v0 =	vsel vm15, $0x0, v0;
	[tilespmem:s22], [sflag:$0x1] =	stream.linear.gather [hbm4b:s26+s3], $0x80, $0x38;
	[tilespmem:$0x10280] =	vst v63  }
0x33: {  	(xrf0) =	vadd.scan.msk.s32 $0xffff, v0;
	s20 =	simm.s32 $0x780;
	(v2sf) =	vpush v60, $0xF;
	s28 =	sadd.s32 s4, s28;
	s2 =	spop (v2sf)  }
0x34: {  	[tilespmem:s9], [sflag:$0x1] =	stream.linear.gather [hbm4b:s28+s3], $0x80, $0x38;
	[tilespmem:$0x10280] =	vst v63  }
0x35: {  	(v2sf) =	vpush v61, $0xF;
	s24 =	sshll.u32 s1, $0x4;
	s26 =	sshll.u32 s2, $0x4;
	s28 =	spop (v2sf)  }
0x36: {  	s22 =	simm.s32 $0x680;
	s26 =	sand.u32 $0x1FFFFFF0, s26;
	s28 =	sshll.u32 s28, $0x4  }
0x37: {  	s29 =	spop (v2sf);
	s28 =	sand.u32 $0x1FFFFFF0, s28;
	s26 =	sadd.s32 s4, s26  }
0x38: {  	[tilespmem:s23], [sflag:$0x1] =	stream.linear.gather [hbm4b:s26+s3], $0x80, $0x38;
	[tilespmem:$0x10280] =	vst v63  }
0x39: {  	s26 =	simm.s32 $0x600;
	s28 =	sadd.s32 s4, s28;
	s11 =	spop (v2sf);
	(v2sf) =	vpush v62, $0xF  }
0x3a: {  	v0, _, _ =	vpop (xrf0);
	[tilespmem:s25], [sflag:$0x1] =	stream.linear.gather [hbm4b:s28+s3], $0x80, $0x38;
	[tilespmem:$0x10280] =	vst v63  }
0x3b: {  	s28 =	sand.u32 $0x1FFFFFF0, s24;
	s25 =	sshll.u32 s29, $0x4;
	s31 =	spop (v2sf);
	(v2sf) =	vpush v0, $0xF  }
0x3c: {  	s29 =	sand.u32 $0x1FFFFFF0, s25;
	s25 =	sshll.u32 s31, $0x4;
	s30 =	spop (v2sf)  }
0x3d: {  	s24 =	sshll.u32 s11, $0x4;
	s23 =	sand.u32 $0x1FFFFFF0, s25;
	s30 =	sshll.u32 s30, $0x4  }
.LBB2_2:
0x3e: {  	s23 =	sadd.s32 s4, s23;
	s25 =	sand.u32 $0x1FFFFFF0, s30;
	s30 =	spop (v2sf)  }
0x3f: {  	[tilespmem:s19], [sflag:$0x1] =	stream.linear.gather [hbm4b:s23+s3], $0x80, $0x38;
	[tilespmem:$0x10280] =	vst v63  }
0x40: {  	s19 =	sadd.s32 s4, s25;
	s23 =	sand.u32 $0x1FFFFFF0, s24;
	s24 =	sshll.u32 s30, $0x4  }
0x41: {  	[tilespmem:s18], [sflag:$0x1] =	stream.linear.gather [hbm4b:s19+s3], $0x80, $0x38;
	[tilespmem:$0x10280] =	vst v63  }
0x42: {  	s18 =	sadd.s32 s4, s28;
	s19 =	sand.u32 $0x1FFFFFF0, s24;
	s24 =	spop (v2sf)  }
0x43: {  	[tilespmem:s26], [sflag:$0x1] =	stream.linear.gather [hbm4b:s18+s3], $0x80, $0x38;
	[tilespmem:$0x10280] =	vst v63  }
0x44: {  	s18 =	sadd.s32 s4, s23;
	s23 =	sshll.u32 s24, $0x4;
	s24 =	spop (v2sf)  }
0x45: {  	[tilespmem:s22], [sflag:$0x1] =	stream.linear.gather [hbm4b:s18+s3], $0x80, $0x38;
	[tilespmem:$0x10280] =	vst v63  }
0x46: {  	s18 =	sadd.s32 s4, s29;
	s22 =	sand.u32 $0x1FFFFFF0, s23;
	s23 =	sshll.u32 s24, $0x4  }
0x47: {  	[tilespmem:s21], [sflag:$0x1] =	stream.linear.gather [hbm4b:s18+s3], $0x80, $0x38;
	[tilespmem:$0x10280] =	vst v63  }
0x48: {  	s18 =	sadd.s32 s4, s19;
	s19 =	sand.u32 $0x1FFFFFF0, s23;
	s21 =	spop (v2sf)  }
0x49: {  	[tilespmem:s20], [sflag:$0x1] =	stream.linear.gather [hbm4b:s18+s3], $0x80, $0x38;
	[tilespmem:$0x10280] =	vst v63  }
0x4a: {  	s18 =	sadd.s32 s4, s22;
	s20 =	sshll.u32 s21, $0x4;
	s21 =	spop (v2sf)  }
0x4b: {  	[tilespmem:s17], [sflag:$0x1] =	stream.linear.gather [hbm4b:s18+s3], $0x80, $0x38;
	[tilespmem:$0x10280] =	vst v63  }
0x4c: {  	s17 =	sadd.s32 s4, s19;
	s18 =	sand.u32 $0x1FFFFFF0, s20;
	s19 =	sshll.u32 s21, $0x4  }
0x4d: {  	[tilespmem:s16], [sflag:$0x1] =	stream.linear.gather [hbm4b:s17+s3], $0x80, $0x38;
	[tilespmem:$0x10280] =	vst v63  }
0x4e: {  	s16 =	sadd.s32 $0x900, s14;
	s17 =	sadd.s32 s4, s18;
	s18 =	sand.u32 $0x1FFFFFF0, s19  }
0x4f: {  	[tilespmem:s16], [sflag:$0x1] =	stream.linear.gather [hbm4b:s17+s3], $0x80, $0x38;
	[tilespmem:$0x10280] =	vst v63  }
0x50: {  	p0 =	sne.s32 s13, $0x3E000;
	s14 =	sadd.s32 $0x980, s14;
	s16 =	sadd.s32 s4, s18  }
0x51: {  	[tilespmem:s14], [sflag:$0x1] =	stream.linear.gather [hbm4b:s16+s3], $0x80, $0x38;
	[tilespmem:$0x10280] =	vst v63  }
0x52: {  	s14 =	smov.u32 s13;
	s13 =	sadd.s32 $0x2000, s13;
	v0 =	vld [tilespmem:s15+$0x0];
	_ =	sdelay $0x4  }
0x53: {  	v1 =	vnsel vm0, $0x0, v0;
	v2 =	vsel vm3, $0x0, v0;
	v3 =	vsel vm14, $0x0, v0  }
0x54: {  	v4 =	vsel vm2, $0x0, v0;
	v5 =	vsel vm15, $0x0, v0;
	(xrf0) =	vadd.scan.msk.s32 $0xffff, v1  }
0x55: {  	v6 =	vsel vm6, $0x0, v0;
	v1 =	vsel vm1, $0x0, v0;
	(xrf0) =	vadd.scan.msk.s32 $0xffff, v4  }
0x56: {  	v4 =	vsel vm7, $0x0, v0;
	(xrf0) =	vadd.scan.msk.s32 $0xffff, v2  }
0x57: {  	v2 =	vsel vm8, $0x0, v0;
	(xrf0) =	vadd.scan.msk.s32 $0xffff, v1  }
0x58: {  	v1 =	vsel vm9, $0x0, v0;
	(xrf0) =	vadd.scan.msk.s32 $0xffff, v2  }
0x59: {  	v2 =	vsel vm5, $0x0, v0;
	(xrf0) =	vadd.scan.msk.s32 $0xffff, v1  }
0x5a: {  	v1 =	vsel vm4, $0x0, v0;
	v7, _, _ =	vpop (xrf0);
	(xrf0) =	vadd.scan.msk.s32 $0xffff, v2  }
0x5b: {  	v2 =	vsel vm10, $0x0, v0;
	(v2sf) =	vpush v7, $0xF;
	v7, _, _ =	vpop (xrf0);
	(xrf0) =	vadd.scan.msk.s32 $0xffff, v1  }
0x5c: {  	v9 =	vsel vm11, $0x0, v0;
	(v2sf) =	vpush v7, $0xF;
	v7, _, _ =	vpop (xrf0);
	(xrf0) =	vadd.scan.msk.s32 $0xffff, v2  }
0x5d: {  	s14 =	sshra.s32 s14, $0x2;
	v2 =	vsel vm12, $0x0, v0;
	v8, _, _ =	vpop (xrf0);
	(v2sf) =	vpush v7, $0xF;
	(xrf0) =	vadd.scan.msk.s32 $0xffff, v9  }
0x5e: {  	s24 =	sadd.s32 $0x300, s14;
	v7 =	vsel vm13, $0x0, v0;
	(v2sf) =	vpush v8, $0xF;
	v1, _, _ =	vpop (xrf0);
	(xrf0) =	vadd.scan.msk.s32 $0xffff, v2  }
0x5f: {  	s23 =	sadd.s32 $0x400, s14;
	s18 =	sadd.s32 $0x580, s14;
	(v2sf) =	vpush v1, $0xF;
	v1, _, _ =	vpop (xrf0);
	(xrf0) =	vadd.scan.msk.s32 $0xffff, v7  }
0x60: {  	s26 =	sadd.s32 $0x200, s14;
	s29 =	sadd.s32 $0x280, s14;
	v0, _, _ =	vpop (xrf0);
	(xrf0) =	vadd.scan.msk.s32 $0xffff, v3  }
0x61: {  	s19 =	sadd.s32 $0x500, s14;
	v2, _, _ =	vpop (xrf0);
	(xrf0) =	vadd.scan.msk.s32 $0xffff, v6  }
0x62: {  	s25 =	sadd.s32 $0x480, s14;
	(v2sf) =	vpush v2, $0xF;
	(xrf0) =	vadd.scan.msk.s32 $0xffff, v4;
	v2, _, _ =	vpop (xrf0)  }
0x63: {  	(v2sf) =	vpush v0, $0xF;
	v0, _, _ =	vpop (xrf0);
	(xrf0) =	vadd.scan.msk.s32 $0xffff, v5  }
0x64: {  	(v2sf) =	vpush v2, $0xF;
	v2, _, _ =	vpop (xrf0)  }
0x65: {  	v3, _, _ =	vpop (xrf0)  }
0x66: {  	v4, _, _ =	vpop (xrf0)  }
0x67: {  	v5, _, _ =	vpop (xrf0);
	(v2sf) =	vpush v1, $0xF  }
0x68: {  	v1, _, _ =	vpop (xrf0)  }
0x69: {  	s15 =	sadd.s32 $0x10, s15;
	s17 =	sadd.s32 $0x800, s14;
	s16 =	sadd.s32 $0x880, s14;
	(v2sf) =	vpush v5, $0xF;
	v5, _, _ =	vpop (xrf0)  }
0x6a: {  	s21 =	sadd.s32 $0x700, s14;
	s20 =	sadd.s32 $0x780, s14;
	s22 =	spop (v2sf)  }
0x6b: {  	s28 =	sshll.u32 s22, $0x4;
	s22 =	sadd.s32 $0x680, s14;
	s30 =	spop (v2sf);
	(v2sf) =	vpush v1, $0xF  }
0x6c: {  	s28 =	sand.u32 $0x1FFFFFF0, s28;
	s30 =	sshll.u32 s30, $0x4;
	s31 =	spop (v2sf)  }
0x6d: {  	s28 =	sadd.s32 s4, s28;
	s30 =	sand.u32 $0x1FFFFFF0, s30;
	s0 =	spop (v2sf)  }
0x6e: {  	s31 =	sshll.u32 s31, $0x4;
	s0 =	sshll.u32 s0, $0x4;
	s1 =	spop (v2sf)  }
0x6f: {  	s31 =	sand.u32 $0x1FFFFFF0, s31;
	s0 =	sand.u32 $0x1FFFFFF0, s0;
	s1 =	sshll.u32 s1, $0x4;
	(v2sf) =	vpush v0, $0xF  }
0x70: {  	[tilespmem:s26], [sflag:$0x1] =	stream.linear.gather [hbm4b:s28+s3], $0x80, $0x38;
	[tilespmem:$0x10280] =	vst v63  }
0x71: {  	s26 =	sadd.s32 $0x600, s14;
	s28 =	sand.u32 $0x1FFFFFF0, s1;
	s1 =	spop (v2sf)  }
0x72: {  	s2 =	sadd.s32 $0x380, s14;
	s1 =	sshll.u32 s1, $0x4;
	s9 =	spop (v2sf)  }
0x73: {  	s1 =	sand.u32 $0x1FFFFFF0, s1;
	s9 =	sshll.u32 s9, $0x4;
	s11 =	spop (v2sf);
	(v2sf) =	vpush v2, $0xF  }
0x74: {  	s0 =	sadd.s32 s4, s0;
	s9 =	sand.u32 $0x1FFFFFF0, s9;
	s11 =	sshll.u32 s11, $0x4  }
0x75: {  	[tilespmem:s29], [sflag:$0x1] =	stream.linear.gather [hbm4b:s0+s3], $0x80, $0x38;
	(v2sf) =	vpush v3, $0xF;
	[tilespmem:$0x10280] =	vst v63  }
0x76: {  	s0 =	sadd.s32 s4, s30;
	s29 =	sand.u32 $0x1FFFFFF0, s11;
	s11 =	spop (v2sf)  }
0x77: {  	[tilespmem:s24], [sflag:$0x1] =	stream.linear.gather [hbm4b:s0+s3], $0x80, $0x38;
	[tilespmem:$0x10280] =	vst v63  }
0x78: {  	s0 =	sadd.s32 s4, s31;
	s24 =	sshll.u32 s11, $0x4;
	s11 =	spop (v2sf)  }
0x79: {  	[tilespmem:s2], [sflag:$0x1] =	stream.linear.gather [hbm4b:s0+s3], $0x80, $0x38;
	[tilespmem:$0x10280] =	vst v63  }
.Ltmp0:
0x7a: {  	(v2sf) =	vpush v4, $0xF;
	(pc) =	sbr.rel @p0 .LBB2_2-.Ltmp0, $4  }
0x7b: {  	s0 =	sadd.s32 s4, s1;
	s1 =	sshll.u32 s11, $0x4;
	s2 =	spop (v2sf)  }
0x7c: {  	[tilespmem:s23], [sflag:$0x1] =	stream.linear.gather [hbm4b:s0+s3], $0x80, $0x38;
	(v2sf) =	vpush v5, $0xF;
	[tilespmem:$0x10280] =	vst v63  }
0x7d: {  	s0 =	sadd.s32 s4, s9;
	s23 =	sand.u32 $0x1FFFFFF0, s1;
	s30 =	sshll.u32 s2, $0x4  }
0x7e: {  	[tilespmem:s25], [sflag:$0x1] =	stream.linear.gather [hbm4b:s0+s3], $0x80, $0x38;
	[tilespmem:$0x10280] =	vst v63  }
0x7f: {  	s0 =	sadd.s32 s4, s23;
	s1 =	sand.u32 $0x1FFFFFF0, s30;
	s2 =	spop (v2sf)  }
0x80: {  	[tilespmem:s19], [sflag:$0x1] =	stream.linear.gather [hbm4b:s0+s3], $0x80, $0x38;
	[tilespmem:$0x10280] =	vst v63  }
0x81: {  	s30 =	sand.u32 $0x1FFFFFF0, s24;
	s31 =	sadd.s32 s4, s28;
	s25 =	sadd.s32 s4, s1  }
0x82: {  	[tilespmem:s18], [sflag:$0x1] =	stream.linear.gather [hbm4b:s25+s3], $0x80, $0x38;
	[tilespmem:$0x10280] =	vst v63  }
0x83: {  	s2 =	sshll.u32 s2, $0x4;
	s11 =	sadd.s32 s4, s30;
	s9 =	spop (v2sf)  }
0x84: {  	[tilespmem:s26], [sflag:$0x1] =	stream.linear.gather [hbm4b:s31+s3], $0x80, $0x38;
	[tilespmem:$0x10280] =	vst v63  }
0x85: {  	s2 =	sand.u32 $0x1FFFFFF0, s2;
	s18 =	sadd.s32 s4, s29;
	s13 =	sshll.u32 s9, $0x4  }
0x86: {  	[tilespmem:s22], [sflag:$0x1] =	stream.linear.gather [hbm4b:s11+s3], $0x80, $0x38;
	[tilespmem:$0x10280] =	vst v63  }
0x87: {  	s19 =	sadd.s32 s4, s2;
	s15 =	spop (v2sf);
	s1 =	sand.u32 $0x1FFFFFF0, s13  }
0x88: {  	[tilespmem:s21], [sflag:$0x1] =	stream.linear.gather [hbm4b:s18+s3], $0x80, $0x38;
	[tilespmem:$0x10280] =	vst v63  }
0x89: {  	s9 =	sshll.u32 s15, $0x4;
	s23 =	sadd.s32 s4, s1;
	s22 =	spop (v2sf)  }
0x8a: {  	[tilespmem:s20], [sflag:$0x1] =	stream.linear.gather [hbm4b:s19+s3], $0x80, $0x38;
	[tilespmem:$0x10280] =	vst v63  }
0x8b: {  	s21 =	sand.u32 $0x1FFFFFF0, s9;
	s24 =	sshll.u32 s22, $0x4;
	s25 =	spop (v2sf)  }
0x8c: {  	[tilespmem:s17], [sflag:$0x1] =	stream.linear.gather [hbm4b:s23+s3], $0x80, $0x38;
	[tilespmem:$0x10280] =	vst v63  }
0x8d: {  	s26 =	sadd.s32 s4, s21;
	s1 =	sand.u32 $0x1FFFFFF0, s24;
	s28 =	sshll.u32 s25, $0x4  }
0x8e: {  	[tilespmem:s16], [sflag:$0x1] =	stream.linear.gather [hbm4b:s26+s3], $0x80, $0x38;
	[tilespmem:$0x10280] =	vst v63  }
0x8f: {  	s29 =	sadd.s32 $0x900, s14;
	s1 =	sadd.s32 s4, s1;
	s2 =	sand.u32 $0x1FFFFFF0, s28  }
0x90: {  	[tilespmem:s29], [sflag:$0x1] =	stream.linear.gather [hbm4b:s1+s3], $0x80, $0x38;
	[tilespmem:$0x10280] =	vst v63  }
0x91: {  	s30 =	sadd.s32 $0x980, s14;
	s31 =	sadd.s32 s4, s2  }
0x92: {  	[tilespmem:s30], [sflag:$0x1] =	stream.linear.gather [hbm4b:s31+s3], $0x80, $0x38;
	[tilespmem:$0x10280] =	vst v63  }
0x93: {  	_ =	swait.ge [sflag:s10], $0x80  }
0x94: {  	[sflag:s10] =	ssyncset.done $0x0  }
0x95: {  	[sflag:s10] =	ssyncadd.s32 $0xFFFFFF80  }
0x96: {  	_ =	swait.ge [sflag:s10], $0x80  }
0x97: {  	[sflag:s10] =	ssyncset.done $0x0  }
0x98: {  	[sflag:s10] =	ssyncadd.s32 $0xFFFFFF80  }
0x99: {  	_ =	swait.ge [sflag:s10], $0x80  }
0x9a: {  	[sflag:s10] =	ssyncset.done $0x0  }
0x9b: {  	[sflag:s10] =	ssyncadd.s32 $0xFFFFFF80  }
0x9c: {  	_ =	swait.ge [sflag:s10], $0x80  }
0x9d: {  	[sflag:s10] =	ssyncset.done $0x0  }
0x9e: {  	[sflag:s10] =	ssyncadd.s32 $0xFFFFFF80  }
0x9f: {  	_ =	swait.ge [sflag:s10], $0x80  }
0xa0: {  	[sflag:s10] =	ssyncset.done $0x0  }
0xa1: {  	[sflag:s10] =	ssyncadd.s32 $0xFFFFFF80  }
0xa2: {  	_ =	swait.ge [sflag:s10], $0x80  }
0xa3: {  	[sflag:s10] =	ssyncset.done $0x0  }
0xa4: {  	[sflag:s10] =	ssyncadd.s32 $0xFFFFFF80  }
0xa5: {  	_ =	swait.ge [sflag:s10], $0x80  }
0xa6: {  	[sflag:s10] =	ssyncset.done $0x0  }
0xa7: {  	[sflag:s10] =	ssyncadd.s32 $0xFFFFFF80  }
0xa8: {  	_ =	swait.ge [sflag:s10], $0x80  }
0xa9: {  	s13 =	simm.s32 $0x0;
	[sflag:s10] =	ssyncset.done $0x0  }
.LBB2_4:
0xaa: {  	s13 =	sadd.s32 $0x8, s13;
	[sflag:s10] =	ssyncadd.s32 $0xFFFFFF80  }
0xab: {  	_ =	swait.ge [sflag:s10], $0x80;
	p0 =	slt.u32 s13, $0x1F8  }
0xac: {  	[sflag:s10] =	ssyncset.done $0x0  }
0xad: {  	[sflag:s10] =	ssyncadd.s32 $0xFFFFFF80  }
0xae: {  	_ =	swait.ge [sflag:s10], $0x80  }
0xaf: {  	[sflag:s10] =	ssyncset.done $0x0  }
0xb0: {  	[sflag:s10] =	ssyncadd.s32 $0xFFFFFF80  }
0xb1: {  	_ =	swait.ge [sflag:s10], $0x80  }
0xb2: {  	[sflag:s10] =	ssyncset.done $0x0  }
0xb3: {  	[sflag:s10] =	ssyncadd.s32 $0xFFFFFF80  }
0xb4: {  	_ =	swait.ge [sflag:s10], $0x80  }
0xb5: {  	[sflag:s10] =	ssyncset.done $0x0  }
0xb6: {  	[sflag:s10] =	ssyncadd.s32 $0xFFFFFF80  }
0xb7: {  	_ =	swait.ge [sflag:s10], $0x80  }
0xb8: {  	[sflag:s10] =	ssyncset.done $0x0  }
0xb9: {  	[sflag:s10] =	ssyncadd.s32 $0xFFFFFF80  }
0xba: {  	_ =	swait.ge [sflag:s10], $0x80  }
0xbb: {  	[sflag:s10] =	ssyncset.done $0x0  }
0xbc: {  	[sflag:s10] =	ssyncadd.s32 $0xFFFFFF80  }
.Ltmp1:
0xbd: {  	_ =	swait.ge [sflag:s10], $0x80;
	(pc) =	sbr.rel @p0 .LBB2_4-.Ltmp1, $4  }
0xbe: {  	[sflag:s10] =	ssyncset.done $0x0  }
0xbf: {  	[sflag:s10] =	ssyncadd.s32 $0xFFFFFF80  }
0xc0: {  	_ =	swait.ge [sflag:s10], $0x80  }
0xc1: {  	[sflag:s10] =	ssyncset.done $0x0  }
0xc2: {  	[sflag:s10] =	ssyncadd.s32 $0xFFFFFF80  }
0xc3: {  	v0 =	vld [tilespmem:$0x10200];
	_ =	sdelay $0x3  }
0xc4: {  	s13 =	simm.s32 $0x400  }
0xc5: {  	[tilespmem:s13+$0xFFFFFE00] =	vst v0  }
0xc6: {  	[tilespmem:s13+$0x180] =	vst v0  }
0xc7: {  	[tilespmem:s13+$0x100] =	vst v0  }
0xc8: {  	[tilespmem:s13+$0x80] =	vst v0  }
0xc9: {  	[tilespmem:s13+$0x0] =	vst v0  }
0xca: {  	[tilespmem:s13+$0xFFFFFF80] =	vst v0  }
0xcb: {  	s14 =	simm.s32 $0x0;
	[tilespmem:s13+$0xFFFFFF00] =	vst v0  }
.LBB2_6:
0xcc: {  	s14 =	sadd.s32 $0x8, s14;
	[tilespmem:s13+$0xFFFFFE80] =	vst v0;
	s13 =	sadd.s32 $0x400, s13  }
0xcd: {  	[tilespmem:s13+$0xFFFFFE00] =	vst v0;
	p0 =	slt.u32 s14, $0x1F8  }
0xce: {  	[tilespmem:s13+$0x180] =	vst v0  }
.Ltmp2:
0xcf: {  	[tilespmem:s13+$0x100] =	vst v0;
	(pc) =	sbr.rel @p0 .LBB2_6-.Ltmp2, $4  }
0xd0: {  	[tilespmem:s13+$0x80] =	vst v0  }
0xd1: {  	[tilespmem:s13+$0x0] =	vst v0  }
0xd2: {  	[tilespmem:s13+$0xFFFFFF80] =	vst v0  }
0xd3: {  	[tilespmem:s13+$0xFFFFFF00] =	vst v0  }
0xd4: {  	s12 =	sadd.s32 $0x1, s12  }
0xd5: {  	p0 =	sne.s32 s12, s7  }
.Ltmp3:
0xd6: {  	[tilespmem:s13+$0xFFFFFE80] =	vst v0;
	s0 =	simm.s32 $0x200;
	(pc) =	sbr.rel @p0 .LBB2_1-.Ltmp3, $4  }
0xd7: {  	[hbm4b:s6+s3] =	stream.linear.scatter [tilespmem:s0], [sflag:$0x2], $0x10000, $0x38;
	[tilespmem:$0x10280] =	vst v63  }
0xd8: {  	_ =	swait.ge [sflag:s8], $0x10000  }
0xd9: {  	[sflag:s8] =	ssyncset.done $0x0  }
0xda: {  	[sflag:s8] =	ssyncadd.s32 $0xFFFF0000  }
0xdb: {  	_ =	sfence.sel $0x180000  }
0xdc: {  	[bflag:$0x0] =	sbarrier.arrive $0xFFFF  }
0xdd: {  	_ =	strace $0x90000047  }
0xde: {  	s0 =	stileid.u32;
	[bflag:$0x2] =	sbarrier.arrive $0xFFFF  }
0xdf: {  	p0 =	sne.s32 s0, $0x0;
	s0 =	rddreg [dreg:$0x3]  }
0xe0: {  	s0 =	sadd.s32 @!p0 $0x100000, s0  }
0xe1: {  	[sflag:s0] =	ssyncadd.tile.s32 @!p0 $0x1;
	_ =	shalt  }
.Lfunc_end2:
_tile_overlayer_lowered:
.L_overlay_start_2:
0xe2: {  	(tag) =	ssettag $0x2  }
0xe3: {  	s0 =	rddreg [dreg:$0x0];
	s2 =	stileid.u32  }
0xe4: {  	s1 =	rddreg [dreg:$0x1];
	p0 =	sne.s32 s2, $0x0  }
0xe5: {  	s3 =	rddreg [dreg:$0x2];
	[bflag:$0x3] =	sbarrier.arrive $0xFFFF;
	s2 =	simm.s32 @!p0 $0x1C02  }
0xe6: {  	[timem:s3], [sflag:s2] =	dma.local @!p0 [hbm:s0], s1  }
0xe7: {  	s0 =	simm.s32 @!p0 $0x2  }
0xe8: {  	_ =	swait.ge @!p0 [sflag:s0], s1  }
0xe9: {  	s1 =	ssub.s32 @!p0 $0x0, s1;
	[sflag:s0] =	ssyncset.done @!p0 $0x0  }
0xea: {  	[sflag:s0] =	ssyncadd.s32 @!p0 s1  }
0xeb: {  	[bflag:$0x3] =	sbarrier.arrive $0xFFFF  }
0xec: {  	_ =	shalt  }

</sc_bundles>
